<compile_context>
chip_gen: v7x
topology: tpu7x:2x2x1
jax: 0.10.2.dev20260603
libtpu: 0.0.44.dev20260713+nightly
codegen_flags: <defaults>
</compile_context>

<pallas_src>
import jax
import jax.numpy as jnp
from jax import lax
from jax.experimental import pallas as pl
from jax.experimental.pallas import tpu as pltpu
from jax.experimental.pallas import tpu_sc as plsc

_NOISE_ROWS = 64
_ROW = 160000
_NROWS = 2 * _NOISE_ROWS
_NC = 2
_NS = 16
_NW = _NC * _NS
_ROWS_PER_W = _NROWS // _NW
_CHUNK = 40000
_CHUNKS_PER_ROW = _ROW // _CHUNK
_STEPS = _ROWS_PER_W * _CHUNKS_PER_ROW
_NBUF = 3

_PERM = (
    22, 18, 6, 26, 21, 45, 60, 39, 61, 49, 38, 27, 32, 57, 10, 63,
    35, 20, 24, 56, 52, 40, 51, 42, 55, 4, 31, 14, 0, 43, 34, 3,
    50, 5, 17, 37, 28, 2, 41, 23, 58, 44, 54, 48, 46, 36, 1, 8,
    16, 33, 30, 7, 19, 15, 9, 62, 13, 11, 59, 47, 25, 53, 12, 29,
)

_ROWMAP = _PERM + tuple(range(_NOISE_ROWS, _NROWS))


def _remix_body(src, out, buf, sem_in, sem_out):
    cid = lax.axis_index("c")
    sid = lax.axis_index("s")
    wid = sid * _NC + cid

    srows = []
    for i in range(_ROWS_PER_W):
        m = jnp.int32(_ROWMAP[i])
        for w in range(1, _NW):
            m = jnp.where(wid == w, _ROWMAP[w * _ROWS_PER_W + i], m)
        srows.append(m)
    orow0 = wid * _ROWS_PER_W

    def in_copy(t, slot):
        i, c = divmod(t, _CHUNKS_PER_ROW)
        off = pl.multiple_of(srows[i] * _ROW + c * _CHUNK, 8)
        return pltpu.async_copy(
            src.at[pl.ds(off, _CHUNK)], buf.at[pl.ds(slot * _CHUNK, _CHUNK)], sem_in
        )

    def out_copy(t, slot):
        i, c = divmod(t, _CHUNKS_PER_ROW)
        off = pl.multiple_of((orow0 + i) * _ROW + c * _CHUNK, 8)
        return pltpu.async_copy(
            buf.at[pl.ds(slot * _CHUNK, _CHUNK)], out.at[pl.ds(off, _CHUNK)], sem_out
        )

    ins, outs = {}, {}
    ins[0] = in_copy(0, 0)
    ins[1] = in_copy(1, 1)
    for t in range(_STEPS):
        ins[t].wait()
        outs[t] = out_copy(t, t % _NBUF)
        if t + 2 < _STEPS:
            if t - 1 >= 0:
                outs[t - 1].wait()
            ins[t + 2] = in_copy(t + 2, (t + 2) % _NBUF)
    for t in range(_STEPS - 3, _STEPS):
        outs[t].wait()


def kernel(sources):
    src = sources.reshape(_NROWS * _ROW)
    out = pl.kernel(
        _remix_body,
        out_type=jax.ShapeDtypeStruct((_NROWS * _ROW,), jnp.float32),
        mesh=plsc.VectorSubcoreMesh(core_axis_name="c", subcore_axis_name="s"),
        scratch_types=[
            pltpu.VMEM((_NBUF * _CHUNK,), jnp.float32),
            pltpu.SemaphoreType.DMA,
            pltpu.SemaphoreType.DMA,
        ],
        name="sc_remix_copy",
    )(src)
    return out.reshape(2, _NOISE_ROWS, 1, _ROW)

# --- scband reference (transcript-rebuilt; emitter-appended) ---
"""Pipeline reference for scband-remix-63608465653885 (READ-ONLY COPY).

The authoritative reference and input builder live on the scoring server;
editing this copy changes nothing except your own understanding.
"""

import jax, jax.numpy as jnp
import numpy as np


def setup_inputs(seed: int = 0) -> dict:
    key = jax.random.key(seed)
    sources = jax.random.normal(key, (2, 64, 1, 160000), dtype=jnp.float32)
    return {"sources": sources}


def reference(sources):
    # Remix: permute the noise (first source) across the batch, keep clean intact.
    noise = sources[0]
    clean = sources[1]
    bs = noise.shape[0]
    # torch.argsort(torch.rand(bs)) -> random permutation; use fixed key for determinism
    perm = jnp.argsort(jax.random.uniform(jax.random.key(42), (bs,)))
    return jnp.stack([jnp.take(noise, perm, axis=0), clean])

if __name__ == "__main__":
    import jax
    _d = setup_inputs()
    print(jax.jit(kernel)(*tuple(_d.values())))

</pallas_src>

<mosaic_0001>
#map = affine_map<(d0, d1) -> (0)>
module attributes {stable_mosaic.version = 14 : i64} {
  func.func @sc_remix_copy(%arg0: i32, %arg1: i32, %arg2: memref<20480000xf32, #tpu.memory_space<hbm>>, %arg3: memref<20480000xf32, #tpu.memory_space<hbm>>, %arg4: memref<120000xf32, #tpu.memory_space<vmem>>, %arg5: memref<!tpu.dma_semaphore, #tpu.memory_space<semaphore_mem>>, %arg6: memref<!tpu.dma_semaphore, #tpu.memory_space<semaphore_mem>>) attributes {dimension_semantics = [#tpu.dimension_semantics<core_parallel>, #tpu.dimension_semantics<subcore_parallel>], iteration_bounds = array<i64: 2, 16>, scalar_prefetch = 0 : i64, scratch_operands = 3 : i64, tpu.core_type = #tpu.core_type<sc_vector_subcore>, window_params = [{transform_indices = #map}, {transform_indices = #map}]} {
    %mul3A = arith.constant 2 : i32
    %mul3A_0 = arith.muli %arg1, %mul3A : i32
    %add3A = arith.addi %mul3A_0, %arg0 : i32
    %eq3A = arith.constant 1 : i32
    %eq3A_1 = arith.cmpi eq, %add3A, %eq3A : i32
    %jit3A = arith.constant 21 : i32
    %jit3A_2 = arith.constant 22 : i32
    %select_n3A = arith.select %eq3A_1, %jit3A, %jit3A_2 : i32
    %eq3A_3 = arith.constant 2 : i32
    %eq3A_4 = arith.cmpi eq, %add3A, %eq3A_3 : i32
    %jit3A_5 = arith.constant 61 : i32
    %select_n3A_6 = arith.select %eq3A_4, %jit3A_5, %select_n3A : i32
    %eq3A_7 = arith.constant 3 : i32
    %eq3A_8 = arith.cmpi eq, %add3A, %eq3A_7 : i32
    %jit3A_9 = arith.constant 32 : i32
    %select_n3A_10 = arith.select %eq3A_8, %jit3A_9, %select_n3A_6 : i32
    %eq3A_11 = arith.constant 4 : i32
    %eq3A_12 = arith.cmpi eq, %add3A, %eq3A_11 : i32
    %jit3A_13 = arith.constant 35 : i32
    %select_n3A_14 = arith.select %eq3A_12, %jit3A_13, %select_n3A_10 : i32
    %eq3A_15 = arith.constant 5 : i32
    %eq3A_16 = arith.cmpi eq, %add3A, %eq3A_15 : i32
    %jit3A_17 = arith.constant 52 : i32
    %select_n3A_18 = arith.select %eq3A_16, %jit3A_17, %select_n3A_14 : i32
    %eq3A_19 = arith.constant 6 : i32
    %eq3A_20 = arith.cmpi eq, %add3A, %eq3A_19 : i32
    %jit3A_21 = arith.constant 55 : i32
    %select_n3A_22 = arith.select %eq3A_20, %jit3A_21, %select_n3A_18 : i32
    %eq3A_23 = arith.constant 7 : i32
    %eq3A_24 = arith.cmpi eq, %add3A, %eq3A_23 : i32
    %jit3A_25 = arith.constant 0 : i32
    %select_n3A_26 = arith.select %eq3A_24, %jit3A_25, %select_n3A_22 : i32
    %eq3A_27 = arith.constant 8 : i32
    %eq3A_28 = arith.cmpi eq, %add3A, %eq3A_27 : i32
    %jit3A_29 = arith.constant 50 : i32
    %select_n3A_30 = arith.select %eq3A_28, %jit3A_29, %select_n3A_26 : i32
    %eq3A_31 = arith.constant 9 : i32
    %eq3A_32 = arith.cmpi eq, %add3A, %eq3A_31 : i32
    %jit3A_33 = arith.constant 28 : i32
    %select_n3A_34 = arith.select %eq3A_32, %jit3A_33, %select_n3A_30 : i32
    %eq3A_35 = arith.constant 10 : i32
    %eq3A_36 = arith.cmpi eq, %add3A, %eq3A_35 : i32
    %jit3A_37 = arith.constant 58 : i32
    %select_n3A_38 = arith.select %eq3A_36, %jit3A_37, %select_n3A_34 : i32
    %eq3A_39 = arith.constant 11 : i32
    %eq3A_40 = arith.cmpi eq, %add3A, %eq3A_39 : i32
    %jit3A_41 = arith.constant 46 : i32
    %select_n3A_42 = arith.select %eq3A_40, %jit3A_41, %select_n3A_38 : i32
    %eq3A_43 = arith.constant 12 : i32
    %eq3A_44 = arith.cmpi eq, %add3A, %eq3A_43 : i32
    %jit3A_45 = arith.constant 16 : i32
    %select_n3A_46 = arith.select %eq3A_44, %jit3A_45, %select_n3A_42 : i32
    %eq3A_47 = arith.constant 13 : i32
    %eq3A_48 = arith.cmpi eq, %add3A, %eq3A_47 : i32
    %jit3A_49 = arith.constant 19 : i32
    %select_n3A_50 = arith.select %eq3A_48, %jit3A_49, %select_n3A_46 : i32
    %eq3A_51 = arith.constant 14 : i32
    %eq3A_52 = arith.cmpi eq, %add3A, %eq3A_51 : i32
    %jit3A_53 = arith.constant 13 : i32
    %select_n3A_54 = arith.select %eq3A_52, %jit3A_53, %select_n3A_50 : i32
    %eq3A_55 = arith.constant 15 : i32
    %eq3A_56 = arith.cmpi eq, %add3A, %eq3A_55 : i32
    %jit3A_57 = arith.constant 25 : i32
    %select_n3A_58 = arith.select %eq3A_56, %jit3A_57, %select_n3A_54 : i32
    %eq3A_59 = arith.constant 16 : i32
    %eq3A_60 = arith.cmpi eq, %add3A, %eq3A_59 : i32
    %jit3A_61 = arith.constant 64 : i32
    %select_n3A_62 = arith.select %eq3A_60, %jit3A_61, %select_n3A_58 : i32
    %eq3A_63 = arith.constant 17 : i32
    %eq3A_64 = arith.cmpi eq, %add3A, %eq3A_63 : i32
    %jit3A_65 = arith.constant 68 : i32
    %select_n3A_66 = arith.select %eq3A_64, %jit3A_65, %select_n3A_62 : i32
    %eq3A_67 = arith.constant 18 : i32
    %eq3A_68 = arith.cmpi eq, %add3A, %eq3A_67 : i32
    %jit3A_69 = arith.constant 72 : i32
    %select_n3A_70 = arith.select %eq3A_68, %jit3A_69, %select_n3A_66 : i32
    %eq3A_71 = arith.constant 19 : i32
    %eq3A_72 = arith.cmpi eq, %add3A, %eq3A_71 : i32
    %jit3A_73 = arith.constant 76 : i32
    %select_n3A_74 = arith.select %eq3A_72, %jit3A_73, %select_n3A_70 : i32
    %eq3A_75 = arith.constant 20 : i32
    %eq3A_76 = arith.cmpi eq, %add3A, %eq3A_75 : i32
    %jit3A_77 = arith.constant 80 : i32
    %select_n3A_78 = arith.select %eq3A_76, %jit3A_77, %select_n3A_74 : i32
    %eq3A_79 = arith.constant 21 : i32
    %eq3A_80 = arith.cmpi eq, %add3A, %eq3A_79 : i32
    %jit3A_81 = arith.constant 84 : i32
    %select_n3A_82 = arith.select %eq3A_80, %jit3A_81, %select_n3A_78 : i32
    %eq3A_83 = arith.constant 22 : i32
    %eq3A_84 = arith.cmpi eq, %add3A, %eq3A_83 : i32
    %jit3A_85 = arith.constant 88 : i32
    %select_n3A_86 = arith.select %eq3A_84, %jit3A_85, %select_n3A_82 : i32
    %eq3A_87 = arith.constant 23 : i32
    %eq3A_88 = arith.cmpi eq, %add3A, %eq3A_87 : i32
    %jit3A_89 = arith.constant 92 : i32
    %select_n3A_90 = arith.select %eq3A_88, %jit3A_89, %select_n3A_86 : i32
    %eq3A_91 = arith.constant 24 : i32
    %eq3A_92 = arith.cmpi eq, %add3A, %eq3A_91 : i32
    %jit3A_93 = arith.constant 96 : i32
    %select_n3A_94 = arith.select %eq3A_92, %jit3A_93, %select_n3A_90 : i32
    %eq3A_95 = arith.constant 25 : i32
    %eq3A_96 = arith.cmpi eq, %add3A, %eq3A_95 : i32
    %jit3A_97 = arith.constant 100 : i32
    %select_n3A_98 = arith.select %eq3A_96, %jit3A_97, %select_n3A_94 : i32
    %eq3A_99 = arith.constant 26 : i32
    %eq3A_100 = arith.cmpi eq, %add3A, %eq3A_99 : i32
    %jit3A_101 = arith.constant 104 : i32
    %select_n3A_102 = arith.select %eq3A_100, %jit3A_101, %select_n3A_98 : i32
    %eq3A_103 = arith.constant 27 : i32
    %eq3A_104 = arith.cmpi eq, %add3A, %eq3A_103 : i32
    %jit3A_105 = arith.constant 108 : i32
    %select_n3A_106 = arith.select %eq3A_104, %jit3A_105, %select_n3A_102 : i32
    %eq3A_107 = arith.constant 28 : i32
    %eq3A_108 = arith.cmpi eq, %add3A, %eq3A_107 : i32
    %jit3A_109 = arith.constant 112 : i32
    %select_n3A_110 = arith.select %eq3A_108, %jit3A_109, %select_n3A_106 : i32
    %eq3A_111 = arith.constant 29 : i32
    %eq3A_112 = arith.cmpi eq, %add3A, %eq3A_111 : i32
    %jit3A_113 = arith.constant 116 : i32
    %select_n3A_114 = arith.select %eq3A_112, %jit3A_113, %select_n3A_110 : i32
    %eq3A_115 = arith.constant 30 : i32
    %eq3A_116 = arith.cmpi eq, %add3A, %eq3A_115 : i32
    %jit3A_117 = arith.constant 120 : i32
    %select_n3A_118 = arith.select %eq3A_116, %jit3A_117, %select_n3A_114 : i32
    %eq3A_119 = arith.constant 31 : i32
    %eq3A_120 = arith.cmpi eq, %add3A, %eq3A_119 : i32
    %jit3A_121 = arith.constant 124 : i32
    %select_n3A_122 = arith.select %eq3A_120, %jit3A_121, %select_n3A_118 : i32
    %eq3A_123 = arith.constant 1 : i32
    %eq3A_124 = arith.cmpi eq, %add3A, %eq3A_123 : i32
    %jit3A_125 = arith.constant 45 : i32
    %jit3A_126 = arith.constant 18 : i32
    %select_n3A_127 = arith.select %eq3A_124, %jit3A_125, %jit3A_126 : i32
    %eq3A_128 = arith.constant 2 : i32
    %eq3A_129 = arith.cmpi eq, %add3A, %eq3A_128 : i32
    %jit3A_130 = arith.constant 49 : i32
    %select_n3A_131 = arith.select %eq3A_129, %jit3A_130, %select_n3A_127 : i32
    %eq3A_132 = arith.constant 3 : i32
    %eq3A_133 = arith.cmpi eq, %add3A, %eq3A_132 : i32
    %jit3A_134 = arith.constant 57 : i32
    %select_n3A_135 = arith.select %eq3A_133, %jit3A_134, %select_n3A_131 : i32
    %eq3A_136 = arith.constant 4 : i32
    %eq3A_137 = arith.cmpi eq, %add3A, %eq3A_136 : i32
    %jit3A_138 = arith.constant 20 : i32
    %select_n3A_139 = arith.select %eq3A_137, %jit3A_138, %select_n3A_135 : i32
    %eq3A_140 = arith.constant 5 : i32
    %eq3A_141 = arith.cmpi eq, %add3A, %eq3A_140 : i32
    %jit3A_142 = arith.constant 40 : i32
    %select_n3A_143 = arith.select %eq3A_141, %jit3A_142, %select_n3A_139 : i32
    %eq3A_144 = arith.constant 6 : i32
    %eq3A_145 = arith.cmpi eq, %add3A, %eq3A_144 : i32
    %jit3A_146 = arith.constant 4 : i32
    %select_n3A_147 = arith.select %eq3A_145, %jit3A_146, %select_n3A_143 : i32
    %eq3A_148 = arith.constant 7 : i32
    %eq3A_149 = arith.cmpi eq, %add3A, %eq3A_148 : i32
    %jit3A_150 = arith.constant 43 : i32
    %select_n3A_151 = arith.select %eq3A_149, %jit3A_150, %select_n3A_147 : i32
    %eq3A_152 = arith.constant 8 : i32
    %eq3A_153 = arith.cmpi eq, %add3A, %eq3A_152 : i32
    %jit3A_154 = arith.constant 5 : i32
    %select_n3A_155 = arith.select %eq3A_153, %jit3A_154, %select_n3A_151 : i32
    %eq3A_156 = arith.constant 9 : i32
    %eq3A_157 = arith.cmpi eq, %add3A, %eq3A_156 : i32
    %jit3A_158 = arith.constant 2 : i32
    %select_n3A_159 = arith.select %eq3A_157, %jit3A_158, %select_n3A_155 : i32
    %eq3A_160 = arith.constant 10 : i32
    %eq3A_161 = arith.cmpi eq, %add3A, %eq3A_160 : i32
    %jit3A_162 = arith.constant 44 : i32
    %select_n3A_163 = arith.select %eq3A_161, %jit3A_162, %select_n3A_159 : i32
    %eq3A_164 = arith.constant 11 : i32
    %eq3A_165 = arith.cmpi eq, %add3A, %eq3A_164 : i32
    %jit3A_166 = arith.constant 36 : i32
    %select_n3A_167 = arith.select %eq3A_165, %jit3A_166, %select_n3A_163 : i32
    %eq3A_168 = arith.constant 12 : i32
    %eq3A_169 = arith.cmpi eq, %add3A, %eq3A_168 : i32
    %jit3A_170 = arith.constant 33 : i32
    %select_n3A_171 = arith.select %eq3A_169, %jit3A_170, %select_n3A_167 : i32
    %eq3A_172 = arith.constant 13 : i32
    %eq3A_173 = arith.cmpi eq, %add3A, %eq3A_172 : i32
    %jit3A_174 = arith.constant 15 : i32
    %select_n3A_175 = arith.select %eq3A_173, %jit3A_174, %select_n3A_171 : i32
    %eq3A_176 = arith.constant 14 : i32
    %eq3A_177 = arith.cmpi eq, %add3A, %eq3A_176 : i32
    %jit3A_178 = arith.constant 11 : i32
    %select_n3A_179 = arith.select %eq3A_177, %jit3A_178, %select_n3A_175 : i32
    %eq3A_180 = arith.constant 15 : i32
    %eq3A_181 = arith.cmpi eq, %add3A, %eq3A_180 : i32
    %jit3A_182 = arith.constant 53 : i32
    %select_n3A_183 = arith.select %eq3A_181, %jit3A_182, %select_n3A_179 : i32
    %eq3A_184 = arith.constant 16 : i32
    %eq3A_185 = arith.cmpi eq, %add3A, %eq3A_184 : i32
    %jit3A_186 = arith.constant 65 : i32
    %select_n3A_187 = arith.select %eq3A_185, %jit3A_186, %select_n3A_183 : i32
    %eq3A_188 = arith.constant 17 : i32
    %eq3A_189 = arith.cmpi eq, %add3A, %eq3A_188 : i32
    %jit3A_190 = arith.constant 69 : i32
    %select_n3A_191 = arith.select %eq3A_189, %jit3A_190, %select_n3A_187 : i32
    %eq3A_192 = arith.constant 18 : i32
    %eq3A_193 = arith.cmpi eq, %add3A, %eq3A_192 : i32
    %jit3A_194 = arith.constant 73 : i32
    %select_n3A_195 = arith.select %eq3A_193, %jit3A_194, %select_n3A_191 : i32
    %eq3A_196 = arith.constant 19 : i32
    %eq3A_197 = arith.cmpi eq, %add3A, %eq3A_196 : i32
    %jit3A_198 = arith.constant 77 : i32
    %select_n3A_199 = arith.select %eq3A_197, %jit3A_198, %select_n3A_195 : i32
    %eq3A_200 = arith.constant 20 : i32
    %eq3A_201 = arith.cmpi eq, %add3A, %eq3A_200 : i32
    %jit3A_202 = arith.constant 81 : i32
    %select_n3A_203 = arith.select %eq3A_201, %jit3A_202, %select_n3A_199 : i32
    %eq3A_204 = arith.constant 21 : i32
    %eq3A_205 = arith.cmpi eq, %add3A, %eq3A_204 : i32
    %jit3A_206 = arith.constant 85 : i32
    %select_n3A_207 = arith.select %eq3A_205, %jit3A_206, %select_n3A_203 : i32
    %eq3A_208 = arith.constant 22 : i32
    %eq3A_209 = arith.cmpi eq, %add3A, %eq3A_208 : i32
    %jit3A_210 = arith.constant 89 : i32
    %select_n3A_211 = arith.select %eq3A_209, %jit3A_210, %select_n3A_207 : i32
    %eq3A_212 = arith.constant 23 : i32
    %eq3A_213 = arith.cmpi eq, %add3A, %eq3A_212 : i32
    %jit3A_214 = arith.constant 93 : i32
    %select_n3A_215 = arith.select %eq3A_213, %jit3A_214, %select_n3A_211 : i32
    %eq3A_216 = arith.constant 24 : i32
    %eq3A_217 = arith.cmpi eq, %add3A, %eq3A_216 : i32
    %jit3A_218 = arith.constant 97 : i32
    %select_n3A_219 = arith.select %eq3A_217, %jit3A_218, %select_n3A_215 : i32
    %eq3A_220 = arith.constant 25 : i32
    %eq3A_221 = arith.cmpi eq, %add3A, %eq3A_220 : i32
    %jit3A_222 = arith.constant 101 : i32
    %select_n3A_223 = arith.select %eq3A_221, %jit3A_222, %select_n3A_219 : i32
    %eq3A_224 = arith.constant 26 : i32
    %eq3A_225 = arith.cmpi eq, %add3A, %eq3A_224 : i32
    %jit3A_226 = arith.constant 105 : i32
    %select_n3A_227 = arith.select %eq3A_225, %jit3A_226, %select_n3A_223 : i32
    %eq3A_228 = arith.constant 27 : i32
    %eq3A_229 = arith.cmpi eq, %add3A, %eq3A_228 : i32
    %jit3A_230 = arith.constant 109 : i32
    %select_n3A_231 = arith.select %eq3A_229, %jit3A_230, %select_n3A_227 : i32
    %eq3A_232 = arith.constant 28 : i32
    %eq3A_233 = arith.cmpi eq, %add3A, %eq3A_232 : i32
    %jit3A_234 = arith.constant 113 : i32
    %select_n3A_235 = arith.select %eq3A_233, %jit3A_234, %select_n3A_231 : i32
    %eq3A_236 = arith.constant 29 : i32
    %eq3A_237 = arith.cmpi eq, %add3A, %eq3A_236 : i32
    %jit3A_238 = arith.constant 117 : i32
    %select_n3A_239 = arith.select %eq3A_237, %jit3A_238, %select_n3A_235 : i32
    %eq3A_240 = arith.constant 30 : i32
    %eq3A_241 = arith.cmpi eq, %add3A, %eq3A_240 : i32
    %jit3A_242 = arith.constant 121 : i32
    %select_n3A_243 = arith.select %eq3A_241, %jit3A_242, %select_n3A_239 : i32
    %eq3A_244 = arith.constant 31 : i32
    %eq3A_245 = arith.cmpi eq, %add3A, %eq3A_244 : i32
    %jit3A_246 = arith.constant 125 : i32
    %select_n3A_247 = arith.select %eq3A_245, %jit3A_246, %select_n3A_243 : i32
    %eq3A_248 = arith.constant 1 : i32
    %eq3A_249 = arith.cmpi eq, %add3A, %eq3A_248 : i32
    %jit3A_250 = arith.constant 60 : i32
    %jit3A_251 = arith.constant 6 : i32
    %select_n3A_252 = arith.select %eq3A_249, %jit3A_250, %jit3A_251 : i32
    %eq3A_253 = arith.constant 2 : i32
    %eq3A_254 = arith.cmpi eq, %add3A, %eq3A_253 : i32
    %jit3A_255 = arith.constant 38 : i32
    %select_n3A_256 = arith.select %eq3A_254, %jit3A_255, %select_n3A_252 : i32
    %eq3A_257 = arith.constant 3 : i32
    %eq3A_258 = arith.cmpi eq, %add3A, %eq3A_257 : i32
    %jit3A_259 = arith.constant 10 : i32
    %select_n3A_260 = arith.select %eq3A_258, %jit3A_259, %select_n3A_256 : i32
    %eq3A_261 = arith.constant 4 : i32
    %eq3A_262 = arith.cmpi eq, %add3A, %eq3A_261 : i32
    %jit3A_263 = arith.constant 24 : i32
    %select_n3A_264 = arith.select %eq3A_262, %jit3A_263, %select_n3A_260 : i32
    %eq3A_265 = arith.constant 5 : i32
    %eq3A_266 = arith.cmpi eq, %add3A, %eq3A_265 : i32
    %jit3A_267 = arith.constant 51 : i32
    %select_n3A_268 = arith.select %eq3A_266, %jit3A_267, %select_n3A_264 : i32
    %eq3A_269 = arith.constant 6 : i32
    %eq3A_270 = arith.cmpi eq, %add3A, %eq3A_269 : i32
    %jit3A_271 = arith.constant 31 : i32
    %select_n3A_272 = arith.select %eq3A_270, %jit3A_271, %select_n3A_268 : i32
    %eq3A_273 = arith.constant 7 : i32
    %eq3A_274 = arith.cmpi eq, %add3A, %eq3A_273 : i32
    %jit3A_275 = arith.constant 34 : i32
    %select_n3A_276 = arith.select %eq3A_274, %jit3A_275, %select_n3A_272 : i32
    %eq3A_277 = arith.constant 8 : i32
    %eq3A_278 = arith.cmpi eq, %add3A, %eq3A_277 : i32
    %jit3A_279 = arith.constant 17 : i32
    %select_n3A_280 = arith.select %eq3A_278, %jit3A_279, %select_n3A_276 : i32
    %eq3A_281 = arith.constant 9 : i32
    %eq3A_282 = arith.cmpi eq, %add3A, %eq3A_281 : i32
    %jit3A_283 = arith.constant 41 : i32
    %select_n3A_284 = arith.select %eq3A_282, %jit3A_283, %select_n3A_280 : i32
    %eq3A_285 = arith.constant 10 : i32
    %eq3A_286 = arith.cmpi eq, %add3A, %eq3A_285 : i32
    %jit3A_287 = arith.constant 54 : i32
    %select_n3A_288 = arith.select %eq3A_286, %jit3A_287, %select_n3A_284 : i32
    %eq3A_289 = arith.constant 11 : i32
    %eq3A_290 = arith.cmpi eq, %add3A, %eq3A_289 : i32
    %jit3A_291 = arith.constant 1 : i32
    %select_n3A_292 = arith.select %eq3A_290, %jit3A_291, %select_n3A_288 : i32
    %eq3A_293 = arith.constant 12 : i32
    %eq3A_294 = arith.cmpi eq, %add3A, %eq3A_293 : i32
    %jit3A_295 = arith.constant 30 : i32
    %select_n3A_296 = arith.select %eq3A_294, %jit3A_295, %select_n3A_292 : i32
    %eq3A_297 = arith.constant 13 : i32
    %eq3A_298 = arith.cmpi eq, %add3A, %eq3A_297 : i32
    %jit3A_299 = arith.constant 9 : i32
    %select_n3A_300 = arith.select %eq3A_298, %jit3A_299, %select_n3A_296 : i32
    %eq3A_301 = arith.constant 14 : i32
    %eq3A_302 = arith.cmpi eq, %add3A, %eq3A_301 : i32
    %jit3A_303 = arith.constant 59 : i32
    %select_n3A_304 = arith.select %eq3A_302, %jit3A_303, %select_n3A_300 : i32
    %eq3A_305 = arith.constant 15 : i32
    %eq3A_306 = arith.cmpi eq, %add3A, %eq3A_305 : i32
    %jit3A_307 = arith.constant 12 : i32
    %select_n3A_308 = arith.select %eq3A_306, %jit3A_307, %select_n3A_304 : i32
    %eq3A_309 = arith.constant 16 : i32
    %eq3A_310 = arith.cmpi eq, %add3A, %eq3A_309 : i32
    %jit3A_311 = arith.constant 66 : i32
    %select_n3A_312 = arith.select %eq3A_310, %jit3A_311, %select_n3A_308 : i32
    %eq3A_313 = arith.constant 17 : i32
    %eq3A_314 = arith.cmpi eq, %add3A, %eq3A_313 : i32
    %jit3A_315 = arith.constant 70 : i32
    %select_n3A_316 = arith.select %eq3A_314, %jit3A_315, %select_n3A_312 : i32
    %eq3A_317 = arith.constant 18 : i32
    %eq3A_318 = arith.cmpi eq, %add3A, %eq3A_317 : i32
    %jit3A_319 = arith.constant 74 : i32
    %select_n3A_320 = arith.select %eq3A_318, %jit3A_319, %select_n3A_316 : i32
    %eq3A_321 = arith.constant 19 : i32
    %eq3A_322 = arith.cmpi eq, %add3A, %eq3A_321 : i32
    %jit3A_323 = arith.constant 78 : i32
    %select_n3A_324 = arith.select %eq3A_322, %jit3A_323, %select_n3A_320 : i32
    %eq3A_325 = arith.constant 20 : i32
    %eq3A_326 = arith.cmpi eq, %add3A, %eq3A_325 : i32
    %jit3A_327 = arith.constant 82 : i32
    %select_n3A_328 = arith.select %eq3A_326, %jit3A_327, %select_n3A_324 : i32
    %eq3A_329 = arith.constant 21 : i32
    %eq3A_330 = arith.cmpi eq, %add3A, %eq3A_329 : i32
    %jit3A_331 = arith.constant 86 : i32
    %select_n3A_332 = arith.select %eq3A_330, %jit3A_331, %select_n3A_328 : i32
    %eq3A_333 = arith.constant 22 : i32
    %eq3A_334 = arith.cmpi eq, %add3A, %eq3A_333 : i32
    %jit3A_335 = arith.constant 90 : i32
    %select_n3A_336 = arith.select %eq3A_334, %jit3A_335, %select_n3A_332 : i32
    %eq3A_337 = arith.constant 23 : i32
    %eq3A_338 = arith.cmpi eq, %add3A, %eq3A_337 : i32
    %jit3A_339 = arith.constant 94 : i32
    %select_n3A_340 = arith.select %eq3A_338, %jit3A_339, %select_n3A_336 : i32
    %eq3A_341 = arith.constant 24 : i32
    %eq3A_342 = arith.cmpi eq, %add3A, %eq3A_341 : i32
    %jit3A_343 = arith.constant 98 : i32
    %select_n3A_344 = arith.select %eq3A_342, %jit3A_343, %select_n3A_340 : i32
    %eq3A_345 = arith.constant 25 : i32
    %eq3A_346 = arith.cmpi eq, %add3A, %eq3A_345 : i32
    %jit3A_347 = arith.constant 102 : i32
    %select_n3A_348 = arith.select %eq3A_346, %jit3A_347, %select_n3A_344 : i32
    %eq3A_349 = arith.constant 26 : i32
    %eq3A_350 = arith.cmpi eq, %add3A, %eq3A_349 : i32
    %jit3A_351 = arith.constant 106 : i32
    %select_n3A_352 = arith.select %eq3A_350, %jit3A_351, %select_n3A_348 : i32
    %eq3A_353 = arith.constant 27 : i32
    %eq3A_354 = arith.cmpi eq, %add3A, %eq3A_353 : i32
    %jit3A_355 = arith.constant 110 : i32
    %select_n3A_356 = arith.select %eq3A_354, %jit3A_355, %select_n3A_352 : i32
    %eq3A_357 = arith.constant 28 : i32
    %eq3A_358 = arith.cmpi eq, %add3A, %eq3A_357 : i32
    %jit3A_359 = arith.constant 114 : i32
    %select_n3A_360 = arith.select %eq3A_358, %jit3A_359, %select_n3A_356 : i32
    %eq3A_361 = arith.constant 29 : i32
    %eq3A_362 = arith.cmpi eq, %add3A, %eq3A_361 : i32
    %jit3A_363 = arith.constant 118 : i32
    %select_n3A_364 = arith.select %eq3A_362, %jit3A_363, %select_n3A_360 : i32
    %eq3A_365 = arith.constant 30 : i32
    %eq3A_366 = arith.cmpi eq, %add3A, %eq3A_365 : i32
    %jit3A_367 = arith.constant 122 : i32
    %select_n3A_368 = arith.select %eq3A_366, %jit3A_367, %select_n3A_364 : i32
    %eq3A_369 = arith.constant 31 : i32
    %eq3A_370 = arith.cmpi eq, %add3A, %eq3A_369 : i32
    %jit3A_371 = arith.constant 126 : i32
    %select_n3A_372 = arith.select %eq3A_370, %jit3A_371, %select_n3A_368 : i32
    %eq3A_373 = arith.constant 1 : i32
    %eq3A_374 = arith.cmpi eq, %add3A, %eq3A_373 : i32
    %jit3A_375 = arith.constant 39 : i32
    %jit3A_376 = arith.constant 26 : i32
    %select_n3A_377 = arith.select %eq3A_374, %jit3A_375, %jit3A_376 : i32
    %eq3A_378 = arith.constant 2 : i32
    %eq3A_379 = arith.cmpi eq, %add3A, %eq3A_378 : i32
    %jit3A_380 = arith.constant 27 : i32
    %select_n3A_381 = arith.select %eq3A_379, %jit3A_380, %select_n3A_377 : i32
    %eq3A_382 = arith.constant 3 : i32
    %eq3A_383 = arith.cmpi eq, %add3A, %eq3A_382 : i32
    %jit3A_384 = arith.constant 63 : i32
    %select_n3A_385 = arith.select %eq3A_383, %jit3A_384, %select_n3A_381 : i32
    %eq3A_386 = arith.constant 4 : i32
    %eq3A_387 = arith.cmpi eq, %add3A, %eq3A_386 : i32
    %jit3A_388 = arith.constant 56 : i32
    %select_n3A_389 = arith.select %eq3A_387, %jit3A_388, %select_n3A_385 : i32
    %eq3A_390 = arith.constant 5 : i32
    %eq3A_391 = arith.cmpi eq, %add3A, %eq3A_390 : i32
    %jit3A_392 = arith.constant 42 : i32
    %select_n3A_393 = arith.select %eq3A_391, %jit3A_392, %select_n3A_389 : i32
    %eq3A_394 = arith.constant 6 : i32
    %eq3A_395 = arith.cmpi eq, %add3A, %eq3A_394 : i32
    %jit3A_396 = arith.constant 14 : i32
    %select_n3A_397 = arith.select %eq3A_395, %jit3A_396, %select_n3A_393 : i32
    %eq3A_398 = arith.constant 7 : i32
    %eq3A_399 = arith.cmpi eq, %add3A, %eq3A_398 : i32
    %jit3A_400 = arith.constant 3 : i32
    %select_n3A_401 = arith.select %eq3A_399, %jit3A_400, %select_n3A_397 : i32
    %eq3A_402 = arith.constant 8 : i32
    %eq3A_403 = arith.cmpi eq, %add3A, %eq3A_402 : i32
    %jit3A_404 = arith.constant 37 : i32
    %select_n3A_405 = arith.select %eq3A_403, %jit3A_404, %select_n3A_401 : i32
    %eq3A_406 = arith.constant 9 : i32
    %eq3A_407 = arith.cmpi eq, %add3A, %eq3A_406 : i32
    %jit3A_408 = arith.constant 23 : i32
    %select_n3A_409 = arith.select %eq3A_407, %jit3A_408, %select_n3A_405 : i32
    %eq3A_410 = arith.constant 10 : i32
    %eq3A_411 = arith.cmpi eq, %add3A, %eq3A_410 : i32
    %jit3A_412 = arith.constant 48 : i32
    %select_n3A_413 = arith.select %eq3A_411, %jit3A_412, %select_n3A_409 : i32
    %eq3A_414 = arith.constant 11 : i32
    %eq3A_415 = arith.cmpi eq, %add3A, %eq3A_414 : i32
    %jit3A_416 = arith.constant 8 : i32
    %select_n3A_417 = arith.select %eq3A_415, %jit3A_416, %select_n3A_413 : i32
    %eq3A_418 = arith.constant 12 : i32
    %eq3A_419 = arith.cmpi eq, %add3A, %eq3A_418 : i32
    %jit3A_420 = arith.constant 7 : i32
    %select_n3A_421 = arith.select %eq3A_419, %jit3A_420, %select_n3A_417 : i32
    %eq3A_422 = arith.constant 13 : i32
    %eq3A_423 = arith.cmpi eq, %add3A, %eq3A_422 : i32
    %jit3A_424 = arith.constant 62 : i32
    %select_n3A_425 = arith.select %eq3A_423, %jit3A_424, %select_n3A_421 : i32
    %eq3A_426 = arith.constant 14 : i32
    %eq3A_427 = arith.cmpi eq, %add3A, %eq3A_426 : i32
    %jit3A_428 = arith.constant 47 : i32
    %select_n3A_429 = arith.select %eq3A_427, %jit3A_428, %select_n3A_425 : i32
    %eq3A_430 = arith.constant 15 : i32
    %eq3A_431 = arith.cmpi eq, %add3A, %eq3A_430 : i32
    %jit3A_432 = arith.constant 29 : i32
    %select_n3A_433 = arith.select %eq3A_431, %jit3A_432, %select_n3A_429 : i32
    %eq3A_434 = arith.constant 16 : i32
    %eq3A_435 = arith.cmpi eq, %add3A, %eq3A_434 : i32
    %jit3A_436 = arith.constant 67 : i32
    %select_n3A_437 = arith.select %eq3A_435, %jit3A_436, %select_n3A_433 : i32
    %eq3A_438 = arith.constant 17 : i32
    %eq3A_439 = arith.cmpi eq, %add3A, %eq3A_438 : i32
    %jit3A_440 = arith.constant 71 : i32
    %select_n3A_441 = arith.select %eq3A_439, %jit3A_440, %select_n3A_437 : i32
    %eq3A_442 = arith.constant 18 : i32
    %eq3A_443 = arith.cmpi eq, %add3A, %eq3A_442 : i32
    %jit3A_444 = arith.constant 75 : i32
    %select_n3A_445 = arith.select %eq3A_443, %jit3A_444, %select_n3A_441 : i32
    %eq3A_446 = arith.constant 19 : i32
    %eq3A_447 = arith.cmpi eq, %add3A, %eq3A_446 : i32
    %jit3A_448 = arith.constant 79 : i32
    %select_n3A_449 = arith.select %eq3A_447, %jit3A_448, %select_n3A_445 : i32
    %eq3A_450 = arith.constant 20 : i32
    %eq3A_451 = arith.cmpi eq, %add3A, %eq3A_450 : i32
    %jit3A_452 = arith.constant 83 : i32
    %select_n3A_453 = arith.select %eq3A_451, %jit3A_452, %select_n3A_449 : i32
    %eq3A_454 = arith.constant 21 : i32
    %eq3A_455 = arith.cmpi eq, %add3A, %eq3A_454 : i32
    %jit3A_456 = arith.constant 87 : i32
    %select_n3A_457 = arith.select %eq3A_455, %jit3A_456, %select_n3A_453 : i32
    %eq3A_458 = arith.constant 22 : i32
    %eq3A_459 = arith.cmpi eq, %add3A, %eq3A_458 : i32
    %jit3A_460 = arith.constant 91 : i32
    %select_n3A_461 = arith.select %eq3A_459, %jit3A_460, %select_n3A_457 : i32
    %eq3A_462 = arith.constant 23 : i32
    %eq3A_463 = arith.cmpi eq, %add3A, %eq3A_462 : i32
    %jit3A_464 = arith.constant 95 : i32
    %select_n3A_465 = arith.select %eq3A_463, %jit3A_464, %select_n3A_461 : i32
    %eq3A_466 = arith.constant 24 : i32
    %eq3A_467 = arith.cmpi eq, %add3A, %eq3A_466 : i32
    %jit3A_468 = arith.constant 99 : i32
    %select_n3A_469 = arith.select %eq3A_467, %jit3A_468, %select_n3A_465 : i32
    %eq3A_470 = arith.constant 25 : i32
    %eq3A_471 = arith.cmpi eq, %add3A, %eq3A_470 : i32
    %jit3A_472 = arith.constant 103 : i32
    %select_n3A_473 = arith.select %eq3A_471, %jit3A_472, %select_n3A_469 : i32
    %eq3A_474 = arith.constant 26 : i32
    %eq3A_475 = arith.cmpi eq, %add3A, %eq3A_474 : i32
    %jit3A_476 = arith.constant 107 : i32
    %select_n3A_477 = arith.select %eq3A_475, %jit3A_476, %select_n3A_473 : i32
    %eq3A_478 = arith.constant 27 : i32
    %eq3A_479 = arith.cmpi eq, %add3A, %eq3A_478 : i32
    %jit3A_480 = arith.constant 111 : i32
    %select_n3A_481 = arith.select %eq3A_479, %jit3A_480, %select_n3A_477 : i32
    %eq3A_482 = arith.constant 28 : i32
    %eq3A_483 = arith.cmpi eq, %add3A, %eq3A_482 : i32
    %jit3A_484 = arith.constant 115 : i32
    %select_n3A_485 = arith.select %eq3A_483, %jit3A_484, %select_n3A_481 : i32
    %eq3A_486 = arith.constant 29 : i32
    %eq3A_487 = arith.cmpi eq, %add3A, %eq3A_486 : i32
    %jit3A_488 = arith.constant 119 : i32
    %select_n3A_489 = arith.select %eq3A_487, %jit3A_488, %select_n3A_485 : i32
    %eq3A_490 = arith.constant 30 : i32
    %eq3A_491 = arith.cmpi eq, %add3A, %eq3A_490 : i32
    %jit3A_492 = arith.constant 123 : i32
    %select_n3A_493 = arith.select %eq3A_491, %jit3A_492, %select_n3A_489 : i32
    %eq3A_494 = arith.constant 31 : i32
    %eq3A_495 = arith.cmpi eq, %add3A, %eq3A_494 : i32
    %jit3A_496 = arith.constant 127 : i32
    %select_n3A_497 = arith.select %eq3A_495, %jit3A_496, %select_n3A_493 : i32
    %mul3A_498 = arith.constant 4 : i32
    %mul3A_499 = arith.muli %add3A, %mul3A_498 : i32
    %mul3A_500 = arith.constant 160000 : i32
    %mul3A_501 = arith.muli %select_n3A_122, %mul3A_500 : i32
    %add3A_502 = arith.constant 0 : i32
    %add3A_503 = arith.addi %mul3A_501, %add3A_502 : i32
    %multiple_of3A = tpu.assume_multiple %add3A_503, 8 : i32
    %dma_start3A = arith.constant 0 : i32
    %dma_start3A_504 = tpu.memref_slice %arg4[%dma_start3A] : memref<120000xf32, #tpu.memory_space<vmem>> -> memref<40000xf32, #tpu.memory_space<vmem>>
    %dma_start3A_505 = tpu.memref_slice %arg2[%multiple_of3A] : memref<20480000xf32, #tpu.memory_space<hbm>> -> memref<40000xf32, #tpu.memory_space<hbm>>
    %dma_start3A_506 = arith.constant 0 : i32
    %dma_start3A_507 = tpu.memref_slice %arg4[%dma_start3A_506] : memref<120000xf32, #tpu.memory_space<vmem>> -> memref<40000xf32, #tpu.memory_space<vmem>>
    %dma_start3A_508 = tpu.memref_slice %arg2[%multiple_of3A] : memref<20480000xf32, #tpu.memory_space<hbm>> -> memref<40000xf32, #tpu.memory_space<hbm>>
    tpu.enqueue_dma source(%dma_start3A_508 : memref<40000xf32, #tpu.memory_space<hbm>>) target(%dma_start3A_507 : memref<40000xf32, #tpu.memory_space<vmem>>) target_semaphore(%arg5 : memref<!tpu.dma_semaphore, #tpu.memory_space<semaphore_mem>>)
    %mul3A_509 = arith.constant 160000 : i32
    %mul3A_510 = arith.muli %select_n3A_122, %mul3A_509 : i32
    %add3A_511 = arith.constant 40000 : i32
    %add3A_512 = arith.addi %mul3A_510, %add3A_511 : i32
    %multiple_of3A_513 = tpu.assume_multiple %add3A_512, 8 : i32
    %dma_start3A_514 = arith.constant 40000 : i32
    %dma_start3A_515 = tpu.memref_slice %arg4[%dma_start3A_514] : memref<120000xf32, #tpu.memory_space<vmem>> -> memref<40000xf32, #tpu.memory_space<vmem>>
    %dma_start3A_516 = tpu.memref_slice %arg2[%multiple_of3A_513] : memref<20480000xf32, #tpu.memory_space<hbm>> -> memref<40000xf32, #tpu.memory_space<hbm>>
    %dma_start3A_517 = arith.constant 40000 : i32
    %dma_start3A_518 = tpu.memref_slice %arg4[%dma_start3A_517] : memref<120000xf32, #tpu.memory_space<vmem>> -> memref<40000xf32, #tpu.memory_space<vmem>>
    %dma_start3A_519 = tpu.memref_slice %arg2[%multiple_of3A_513] : memref<20480000xf32, #tpu.memory_space<hbm>> -> memref<40000xf32, #tpu.memory_space<hbm>>
    tpu.enqueue_dma source(%dma_start3A_519 : memref<40000xf32, #tpu.memory_space<hbm>>) target(%dma_start3A_518 : memref<40000xf32, #tpu.memory_space<vmem>>) target_semaphore(%arg5 : memref<!tpu.dma_semaphore, #tpu.memory_space<semaphore_mem>>)
    %dma_wait3A = arith.constant 0 : i32
    %dma_wait3A_520 = tpu.memref_slice %arg4[%dma_wait3A] : memref<120000xf32, #tpu.memory_space<vmem>> -> memref<40000xf32, #tpu.memory_space<vmem>>
    %dma_wait3A_521 = tpu.memref_slice %arg2[%multiple_of3A] : memref<20480000xf32, #tpu.memory_space<hbm>> -> memref<40000xf32, #tpu.memory_space<hbm>>
    %dma_wait3A_522 = arith.constant 0 : i32
    %dma_wait3A_523 = tpu.memref_slice %arg4[%dma_wait3A_522] : memref<120000xf32, #tpu.memory_space<vmem>> -> memref<40000xf32, #tpu.memory_space<vmem>>
    %dma_wait3A_524 = tpu.memref_slice %arg2[%multiple_of3A] : memref<20480000xf32, #tpu.memory_space<hbm>> -> memref<40000xf32, #tpu.memory_space<hbm>>
    tpu.wait_dma2 semaphore(%arg5 : memref<!tpu.dma_semaphore, #tpu.memory_space<semaphore_mem>>) src(%dma_wait3A_524 : memref<40000xf32, #tpu.memory_space<hbm>>) dst(%dma_wait3A_523 : memref<40000xf32, #tpu.memory_space<vmem>>)
    %add3A_525 = arith.constant 0 : i32
    %add3A_526 = arith.addi %mul3A_499, %add3A_525 : i32
    %mul3A_527 = arith.constant 160000 : i32
    %mul3A_528 = arith.muli %add3A_526, %mul3A_527 : i32
    %add3A_529 = arith.constant 0 : i32
    %add3A_530 = arith.addi %mul3A_528, %add3A_529 : i32
    %multiple_of3A_531 = tpu.assume_multiple %add3A_530, 8 : i32
    %dma_start3A_532 = arith.constant 0 : i32
    %dma_start3A_533 = tpu.memref_slice %arg4[%dma_start3A_532] : memref<120000xf32, #tpu.memory_space<vmem>> -> memref<40000xf32, #tpu.memory_space<vmem>>
    %dma_start3A_534 = tpu.memref_slice %arg3[%multiple_of3A_531] : memref<20480000xf32, #tpu.memory_space<hbm>> -> memref<40000xf32, #tpu.memory_space<hbm>>
    %dma_start3A_535 = tpu.memref_slice %arg3[%multiple_of3A_531] : memref<20480000xf32, #tpu.memory_space<hbm>> -> memref<40000xf32, #tpu.memory_space<hbm>>
    %dma_start3A_536 = arith.constant 0 : i32
    %dma_start3A_537 = tpu.memref_slice %arg4[%dma_start3A_536] : memref<120000xf32, #tpu.memory_space<vmem>> -> memref<40000xf32, #tpu.memory_space<vmem>>
    tpu.enqueue_dma source(%dma_start3A_537 : memref<40000xf32, #tpu.memory_space<vmem>>) target(%dma_start3A_535 : memref<40000xf32, #tpu.memory_space<hbm>>) target_semaphore(%arg6 : memref<!tpu.dma_semaphore, #tpu.memory_space<semaphore_mem>>)
    %mul3A_538 = arith.constant 160000 : i32
    %mul3A_539 = arith.muli %select_n3A_122, %mul3A_538 : i32
    %add3A_540 = arith.constant 80000 : i32
    %add3A_541 = arith.addi %mul3A_539, %add3A_540 : i32
    %multiple_of3A_542 = tpu.assume_multiple %add3A_541, 8 : i32
    %dma_start3A_543 = arith.constant 80000 : i32
    %dma_start3A_544 = tpu.memref_slice %arg4[%dma_start3A_543] : memref<120000xf32, #tpu.memory_space<vmem>> -> memref<40000xf32, #tpu.memory_space<vmem>>
    %dma_start3A_545 = tpu.memref_slice %arg2[%multiple_of3A_542] : memref<20480000xf32, #tpu.memory_space<hbm>> -> memref<40000xf32, #tpu.memory_space<hbm>>
    %dma_start3A_546 = arith.constant 80000 : i32
    %dma_start3A_547 = tpu.memref_slice %arg4[%dma_start3A_546] : memref<120000xf32, #tpu.memory_space<vmem>> -> memref<40000xf32, #tpu.memory_space<vmem>>
    %dma_start3A_548 = tpu.memref_slice %arg2[%multiple_of3A_542] : memref<20480000xf32, #tpu.memory_space<hbm>> -> memref<40000xf32, #tpu.memory_space<hbm>>
    tpu.enqueue_dma source(%dma_start3A_548 : memref<40000xf32, #tpu.memory_space<hbm>>) target(%dma_start3A_547 : memref<40000xf32, #tpu.memory_space<vmem>>) target_semaphore(%arg5 : memref<!tpu.dma_semaphore, #tpu.memory_space<semaphore_mem>>)
    %dma_wait3A_549 = arith.constant 40000 : i32
    %dma_wait3A_550 = tpu.memref_slice %arg4[%dma_wait3A_549] : memref<120000xf32, #tpu.memory_space<vmem>> -> memref<40000xf32, #tpu.memory_space<vmem>>
    %dma_wait3A_551 = tpu.memref_slice %arg2[%multiple_of3A_513] : memref<20480000xf32, #tpu.memory_space<hbm>> -> memref<40000xf32, #tpu.memory_space<hbm>>
    %dma_wait3A_552 = arith.constant 40000 : i32
    %dma_wait3A_553 = tpu.memref_slice %arg4[%dma_wait3A_552] : memref<120000xf32, #tpu.memory_space<vmem>> -> memref<40000xf32, #tpu.memory_space<vmem>>
    %dma_wait3A_554 = tpu.memref_slice %arg2[%multiple_of3A_513] : memref<20480000xf32, #tpu.memory_space<hbm>> -> memref<40000xf32, #tpu.memory_space<hbm>>
    tpu.wait_dma2 semaphore(%arg5 : memref<!tpu.dma_semaphore, #tpu.memory_space<semaphore_mem>>) src(%dma_wait3A_554 : memref<40000xf32, #tpu.memory_space<hbm>>) dst(%dma_wait3A_553 : memref<40000xf32, #tpu.memory_space<vmem>>)
    %add3A_555 = arith.constant 0 : i32
    %add3A_556 = arith.addi %mul3A_499, %add3A_555 : i32
    %mul3A_557 = arith.constant 160000 : i32
    %mul3A_558 = arith.muli %add3A_556, %mul3A_557 : i32
    %add3A_559 = arith.constant 40000 : i32
    %add3A_560 = arith.addi %mul3A_558, %add3A_559 : i32
    %multiple_of3A_561 = tpu.assume_multiple %add3A_560, 8 : i32
    %dma_start3A_562 = arith.constant 40000 : i32
    %dma_start3A_563 = tpu.memref_slice %arg4[%dma_start3A_562] : memref<120000xf32, #tpu.memory_space<vmem>> -> memref<40000xf32, #tpu.memory_space<vmem>>
    %dma_start3A_564 = tpu.memref_slice %arg3[%multiple_of3A_561] : memref<20480000xf32, #tpu.memory_space<hbm>> -> memref<40000xf32, #tpu.memory_space<hbm>>
    %dma_start3A_565 = tpu.memref_slice %arg3[%multiple_of3A_561] : memref<20480000xf32, #tpu.memory_space<hbm>> -> memref<40000xf32, #tpu.memory_space<hbm>>
    %dma_start3A_566 = arith.constant 40000 : i32
    %dma_start3A_567 = tpu.memref_slice %arg4[%dma_start3A_566] : memref<120000xf32, #tpu.memory_space<vmem>> -> memref<40000xf32, #tpu.memory_space<vmem>>
    tpu.enqueue_dma source(%dma_start3A_567 : memref<40000xf32, #tpu.memory_space<vmem>>) target(%dma_start3A_565 : memref<40000xf32, #tpu.memory_space<hbm>>) target_semaphore(%arg6 : memref<!tpu.dma_semaphore, #tpu.memory_space<semaphore_mem>>)
    %dma_wait3A_568 = arith.constant 0 : i32
    %dma_wait3A_569 = tpu.memref_slice %arg4[%dma_wait3A_568] : memref<120000xf32, #tpu.memory_space<vmem>> -> memref<40000xf32, #tpu.memory_space<vmem>>
    %dma_wait3A_570 = tpu.memref_slice %arg3[%multiple_of3A_531] : memref<20480000xf32, #tpu.memory_space<hbm>> -> memref<40000xf32, #tpu.memory_space<hbm>>
    %dma_wait3A_571 = tpu.memref_slice %arg3[%multiple_of3A_531] : memref<20480000xf32, #tpu.memory_space<hbm>> -> memref<40000xf32, #tpu.memory_space<hbm>>
    %dma_wait3A_572 = arith.constant 0 : i32
    %dma_wait3A_573 = tpu.memref_slice %arg4[%dma_wait3A_572] : memref<120000xf32, #tpu.memory_space<vmem>> -> memref<40000xf32, #tpu.memory_space<vmem>>
    tpu.wait_dma2 semaphore(%arg6 : memref<!tpu.dma_semaphore, #tpu.memory_space<semaphore_mem>>) src(%dma_wait3A_573 : memref<40000xf32, #tpu.memory_space<vmem>>) dst(%dma_wait3A_571 : memref<40000xf32, #tpu.memory_space<hbm>>)
    %mul3A_574 = arith.constant 160000 : i32
    %mul3A_575 = arith.muli %select_n3A_122, %mul3A_574 : i32
    %add3A_576 = arith.constant 120000 : i32
    %add3A_577 = arith.addi %mul3A_575, %add3A_576 : i32
    %multiple_of3A_578 = tpu.assume_multiple %add3A_577, 8 : i32
    %dma_start3A_579 = arith.constant 0 : i32
    %dma_start3A_580 = tpu.memref_slice %arg4[%dma_start3A_579] : memref<120000xf32, #tpu.memory_space<vmem>> -> memref<40000xf32, #tpu.memory_space<vmem>>
    %dma_start3A_581 = tpu.memref_slice %arg2[%multiple_of3A_578] : memref<20480000xf32, #tpu.memory_space<hbm>> -> memref<40000xf32, #tpu.memory_space<hbm>>
    %dma_start3A_582 = arith.constant 0 : i32
    %dma_start3A_583 = tpu.memref_slice %arg4[%dma_start3A_582] : memref<120000xf32, #tpu.memory_space<vmem>> -> memref<40000xf32, #tpu.memory_space<vmem>>
    %dma_start3A_584 = tpu.memref_slice %arg2[%multiple_of3A_578] : memref<20480000xf32, #tpu.memory_space<hbm>> -> memref<40000xf32, #tpu.memory_space<hbm>>
    tpu.enqueue_dma source(%dma_start3A_584 : memref<40000xf32, #tpu.memory_space<hbm>>) target(%dma_start3A_583 : memref<40000xf32, #tpu.memory_space<vmem>>) target_semaphore(%arg5 : memref<!tpu.dma_semaphore, #tpu.memory_space<semaphore_mem>>)
    %dma_wait3A_585 = arith.constant 80000 : i32
    %dma_wait3A_586 = tpu.memref_slice %arg4[%dma_wait3A_585] : memref<120000xf32, #tpu.memory_space<vmem>> -> memref<40000xf32, #tpu.memory_space<vmem>>
    %dma_wait3A_587 = tpu.memref_slice %arg2[%multiple_of3A_542] : memref<20480000xf32, #tpu.memory_space<hbm>> -> memref<40000xf32, #tpu.memory_space<hbm>>
    %dma_wait3A_588 = arith.constant 80000 : i32
    %dma_wait3A_589 = tpu.memref_slice %arg4[%dma_wait3A_588] : memref<120000xf32, #tpu.memory_space<vmem>> -> memref<40000xf32, #tpu.memory_space<vmem>>
    %dma_wait3A_590 = tpu.memref_slice %arg2[%multiple_of3A_542] : memref<20480000xf32, #tpu.memory_space<hbm>> -> memref<40000xf32, #tpu.memory_space<hbm>>
    tpu.wait_dma2 semaphore(%arg5 : memref<!tpu.dma_semaphore, #tpu.memory_space<semaphore_mem>>) src(%dma_wait3A_590 : memref<40000xf32, #tpu.memory_space<hbm>>) dst(%dma_wait3A_589 : memref<40000xf32, #tpu.memory_space<vmem>>)
    %add3A_591 = arith.constant 0 : i32
    %add3A_592 = arith.addi %mul3A_499, %add3A_591 : i32
    %mul3A_593 = arith.constant 160000 : i32
    %mul3A_594 = arith.muli %add3A_592, %mul3A_593 : i32
    %add3A_595 = arith.constant 80000 : i32
    %add3A_596 = arith.addi %mul3A_594, %add3A_595 : i32
    %multiple_of3A_597 = tpu.assume_multiple %add3A_596, 8 : i32
    %dma_start3A_598 = arith.constant 80000 : i32
    %dma_start3A_599 = tpu.memref_slice %arg4[%dma_start3A_598] : memref<120000xf32, #tpu.memory_space<vmem>> -> memref<40000xf32, #tpu.memory_space<vmem>>
    %dma_start3A_600 = tpu.memref_slice %arg3[%multiple_of3A_597] : memref<20480000xf32, #tpu.memory_space<hbm>> -> memref<40000xf32, #tpu.memory_space<hbm>>
    %dma_start3A_601 = tpu.memref_slice %arg3[%multiple_of3A_597] : memref<20480000xf32, #tpu.memory_space<hbm>> -> memref<40000xf32, #tpu.memory_space<hbm>>
    %dma_start3A_602 = arith.constant 80000 : i32
    %dma_start3A_603 = tpu.memref_slice %arg4[%dma_start3A_602] : memref<120000xf32, #tpu.memory_space<vmem>> -> memref<40000xf32, #tpu.memory_space<vmem>>
    tpu.enqueue_dma source(%dma_start3A_603 : memref<40000xf32, #tpu.memory_space<vmem>>) target(%dma_start3A_601 : memref<40000xf32, #tpu.memory_space<hbm>>) target_semaphore(%arg6 : memref<!tpu.dma_semaphore, #tpu.memory_space<semaphore_mem>>)
    %dma_wait3A_604 = arith.constant 40000 : i32
    %dma_wait3A_605 = tpu.memref_slice %arg4[%dma_wait3A_604] : memref<120000xf32, #tpu.memory_space<vmem>> -> memref<40000xf32, #tpu.memory_space<vmem>>
    %dma_wait3A_606 = tpu.memref_slice %arg3[%multiple_of3A_561] : memref<20480000xf32, #tpu.memory_space<hbm>> -> memref<40000xf32, #tpu.memory_space<hbm>>
    %dma_wait3A_607 = tpu.memref_slice %arg3[%multiple_of3A_561] : memref<20480000xf32, #tpu.memory_space<hbm>> -> memref<40000xf32, #tpu.memory_space<hbm>>
    %dma_wait3A_608 = arith.constant 40000 : i32
    %dma_wait3A_609 = tpu.memref_slice %arg4[%dma_wait3A_608] : memref<120000xf32, #tpu.memory_space<vmem>> -> memref<40000xf32, #tpu.memory_space<vmem>>
    tpu.wait_dma2 semaphore(%arg6 : memref<!tpu.dma_semaphore, #tpu.memory_space<semaphore_mem>>) src(%dma_wait3A_609 : memref<40000xf32, #tpu.memory_space<vmem>>) dst(%dma_wait3A_607 : memref<40000xf32, #tpu.memory_space<hbm>>)
    %mul3A_610 = arith.constant 160000 : i32
    %mul3A_611 = arith.muli %select_n3A_247, %mul3A_610 : i32
    %add3A_612 = arith.constant 0 : i32
    %add3A_613 = arith.addi %mul3A_611, %add3A_612 : i32
    %multiple_of3A_614 = tpu.assume_multiple %add3A_613, 8 : i32
    %dma_start3A_615 = arith.constant 40000 : i32
    %dma_start3A_616 = tpu.memref_slice %arg4[%dma_start3A_615] : memref<120000xf32, #tpu.memory_space<vmem>> -> memref<40000xf32, #tpu.memory_space<vmem>>
    %dma_start3A_617 = tpu.memref_slice %arg2[%multiple_of3A_614] : memref<20480000xf32, #tpu.memory_space<hbm>> -> memref<40000xf32, #tpu.memory_space<hbm>>
    %dma_start3A_618 = arith.constant 40000 : i32
    %dma_start3A_619 = tpu.memref_slice %arg4[%dma_start3A_618] : memref<120000xf32, #tpu.memory_space<vmem>> -> memref<40000xf32, #tpu.memory_space<vmem>>
    %dma_start3A_620 = tpu.memref_slice %arg2[%multiple_of3A_614] : memref<20480000xf32, #tpu.memory_space<hbm>> -> memref<40000xf32, #tpu.memory_space<hbm>>
    tpu.enqueue_dma source(%dma_start3A_620 : memref<40000xf32, #tpu.memory_space<hbm>>) target(%dma_start3A_619 : memref<40000xf32, #tpu.memory_space<vmem>>) target_semaphore(%arg5 : memref<!tpu.dma_semaphore, #tpu.memory_space<semaphore_mem>>)
    %dma_wait3A_621 = arith.constant 0 : i32
    %dma_wait3A_622 = tpu.memref_slice %arg4[%dma_wait3A_621] : memref<120000xf32, #tpu.memory_space<vmem>> -> memref<40000xf32, #tpu.memory_space<vmem>>
    %dma_wait3A_623 = tpu.memref_slice %arg2[%multiple_of3A_578] : memref<20480000xf32, #tpu.memory_space<hbm>> -> memref<40000xf32, #tpu.memory_space<hbm>>
    %dma_wait3A_624 = arith.constant 0 : i32
    %dma_wait3A_625 = tpu.memref_slice %arg4[%dma_wait3A_624] : memref<120000xf32, #tpu.memory_space<vmem>> -> memref<40000xf32, #tpu.memory_space<vmem>>
    %dma_wait3A_626 = tpu.memref_slice %arg2[%multiple_of3A_578] : memref<20480000xf32, #tpu.memory_space<hbm>> -> memref<40000xf32, #tpu.memory_space<hbm>>
    tpu.wait_dma2 semaphore(%arg5 : memref<!tpu.dma_semaphore, #tpu.memory_space<semaphore_mem>>) src(%dma_wait3A_626 : memref<40000xf32, #tpu.memory_space<hbm>>) dst(%dma_wait3A_625 : memref<40000xf32, #tpu.memory_space<vmem>>)
    %add3A_627 = arith.constant 0 : i32
    %add3A_628 = arith.addi %mul3A_499, %add3A_627 : i32
    %mul3A_629 = arith.constant 160000 : i32
    %mul3A_630 = arith.muli %add3A_628, %mul3A_629 : i32
    %add3A_631 = arith.constant 120000 : i32
    %add3A_632 = arith.addi %mul3A_630, %add3A_631 : i32
    %multiple_of3A_633 = tpu.assume_multiple %add3A_632, 8 : i32
    %dma_start3A_634 = arith.constant 0 : i32
    %dma_start3A_635 = tpu.memref_slice %arg4[%dma_start3A_634] : memref<120000xf32, #tpu.memory_space<vmem>> -> memref<40000xf32, #tpu.memory_space<vmem>>
    %dma_start3A_636 = tpu.memref_slice %arg3[%multiple_of3A_633] : memref<20480000xf32, #tpu.memory_space<hbm>> -> memref<40000xf32, #tpu.memory_space<hbm>>
    %dma_start3A_637 = tpu.memref_slice %arg3[%multiple_of3A_633] : memref<20480000xf32, #tpu.memory_space<hbm>> -> memref<40000xf32, #tpu.memory_space<hbm>>
    %dma_start3A_638 = arith.constant 0 : i32
    %dma_start3A_639 = tpu.memref_slice %arg4[%dma_start3A_638] : memref<120000xf32, #tpu.memory_space<vmem>> -> memref<40000xf32, #tpu.memory_space<vmem>>
    tpu.enqueue_dma source(%dma_start3A_639 : memref<40000xf32, #tpu.memory_space<vmem>>) target(%dma_start3A_637 : memref<40000xf32, #tpu.memory_space<hbm>>) target_semaphore(%arg6 : memref<!tpu.dma_semaphore, #tpu.memory_space<semaphore_mem>>)
    %dma_wait3A_640 = arith.constant 80000 : i32
    %dma_wait3A_641 = tpu.memref_slice %arg4[%dma_wait3A_640] : memref<120000xf32, #tpu.memory_space<vmem>> -> memref<40000xf32, #tpu.memory_space<vmem>>
    %dma_wait3A_642 = tpu.memref_slice %arg3[%multiple_of3A_597] : memref<20480000xf32, #tpu.memory_space<hbm>> -> memref<40000xf32, #tpu.memory_space<hbm>>
    %dma_wait3A_643 = tpu.memref_slice %arg3[%multiple_of3A_597] : memref<20480000xf32, #tpu.memory_space<hbm>> -> memref<40000xf32, #tpu.memory_space<hbm>>
    %dma_wait3A_644 = arith.constant 80000 : i32
    %dma_wait3A_645 = tpu.memref_slice %arg4[%dma_wait3A_644] : memref<120000xf32, #tpu.memory_space<vmem>> -> memref<40000xf32, #tpu.memory_space<vmem>>
    tpu.wait_dma2 semaphore(%arg6 : memref<!tpu.dma_semaphore, #tpu.memory_space<semaphore_mem>>) src(%dma_wait3A_645 : memref<40000xf32, #tpu.memory_space<vmem>>) dst(%dma_wait3A_643 : memref<40000xf32, #tpu.memory_space<hbm>>)
    %mul3A_646 = arith.constant 160000 : i32
    %mul3A_647 = arith.muli %select_n3A_247, %mul3A_646 : i32
    %add3A_648 = arith.constant 40000 : i32
    %add3A_649 = arith.addi %mul3A_647, %add3A_648 : i32
    %multiple_of3A_650 = tpu.assume_multiple %add3A_649, 8 : i32
    %dma_start3A_651 = arith.constant 80000 : i32
    %dma_start3A_652 = tpu.memref_slice %arg4[%dma_start3A_651] : memref<120000xf32, #tpu.memory_space<vmem>> -> memref<40000xf32, #tpu.memory_space<vmem>>
    %dma_start3A_653 = tpu.memref_slice %arg2[%multiple_of3A_650] : memref<20480000xf32, #tpu.memory_space<hbm>> -> memref<40000xf32, #tpu.memory_space<hbm>>
    %dma_start3A_654 = arith.constant 80000 : i32
    %dma_start3A_655 = tpu.memref_slice %arg4[%dma_start3A_654] : memref<120000xf32, #tpu.memory_space<vmem>> -> memref<40000xf32, #tpu.memory_space<vmem>>
    %dma_start3A_656 = tpu.memref_slice %arg2[%multiple_of3A_650] : memref<20480000xf32, #tpu.memory_space<hbm>> -> memref<40000xf32, #tpu.memory_space<hbm>>
    tpu.enqueue_dma source(%dma_start3A_656 : memref<40000xf32, #tpu.memory_space<hbm>>) target(%dma_start3A_655 : memref<40000xf32, #tpu.memory_space<vmem>>) target_semaphore(%arg5 : memref<!tpu.dma_semaphore, #tpu.memory_space<semaphore_mem>>)
    %dma_wait3A_657 = arith.constant 40000 : i32
    %dma_wait3A_658 = tpu.memref_slice %arg4[%dma_wait3A_657] : memref<120000xf32, #tpu.memory_space<vmem>> -> memref<40000xf32, #tpu.memory_space<vmem>>
    %dma_wait3A_659 = tpu.memref_slice %arg2[%multiple_of3A_614] : memref<20480000xf32, #tpu.memory_space<hbm>> -> memref<40000xf32, #tpu.memory_space<hbm>>
    %dma_wait3A_660 = arith.constant 40000 : i32
    %dma_wait3A_661 = tpu.memref_slice %arg4[%dma_wait3A_660] : memref<120000xf32, #tpu.memory_space<vmem>> -> memref<40000xf32, #tpu.memory_space<vmem>>
    %dma_wait3A_662 = tpu.memref_slice %arg2[%multiple_of3A_614] : memref<20480000xf32, #tpu.memory_space<hbm>> -> memref<40000xf32, #tpu.memory_space<hbm>>
    tpu.wait_dma2 semaphore(%arg5 : memref<!tpu.dma_semaphore, #tpu.memory_space<semaphore_mem>>) src(%dma_wait3A_662 : memref<40000xf32, #tpu.memory_space<hbm>>) dst(%dma_wait3A_661 : memref<40000xf32, #tpu.memory_space<vmem>>)
    %add3A_663 = arith.constant 1 : i32
    %add3A_664 = arith.addi %mul3A_499, %add3A_663 : i32
    %mul3A_665 = arith.constant 160000 : i32
    %mul3A_666 = arith.muli %add3A_664, %mul3A_665 : i32
    %add3A_667 = arith.constant 0 : i32
    %add3A_668 = arith.addi %mul3A_666, %add3A_667 : i32
    %multiple_of3A_669 = tpu.assume_multiple %add3A_668, 8 : i32
    %dma_start3A_670 = arith.constant 40000 : i32
    %dma_start3A_671 = tpu.memref_slice %arg4[%dma_start3A_670] : memref<120000xf32, #tpu.memory_space<vmem>> -> memref<40000xf32, #tpu.memory_space<vmem>>
    %dma_start3A_672 = tpu.memref_slice %arg3[%multiple_of3A_669] : memref<20480000xf32, #tpu.memory_space<hbm>> -> memref<40000xf32, #tpu.memory_space<hbm>>
    %dma_start3A_673 = tpu.memref_slice %arg3[%multiple_of3A_669] : memref<20480000xf32, #tpu.memory_space<hbm>> -> memref<40000xf32, #tpu.memory_space<hbm>>
    %dma_start3A_674 = arith.constant 40000 : i32
    %dma_start3A_675 = tpu.memref_slice %arg4[%dma_start3A_674] : memref<120000xf32, #tpu.memory_space<vmem>> -> memref<40000xf32, #tpu.memory_space<vmem>>
    tpu.enqueue_dma source(%dma_start3A_675 : memref<40000xf32, #tpu.memory_space<vmem>>) target(%dma_start3A_673 : memref<40000xf32, #tpu.memory_space<hbm>>) target_semaphore(%arg6 : memref<!tpu.dma_semaphore, #tpu.memory_space<semaphore_mem>>)
    %dma_wait3A_676 = arith.constant 0 : i32
    %dma_wait3A_677 = tpu.memref_slice %arg4[%dma_wait3A_676] : memref<120000xf32, #tpu.memory_space<vmem>> -> memref<40000xf32, #tpu.memory_space<vmem>>
    %dma_wait3A_678 = tpu.memref_slice %arg3[%multiple_of3A_633] : memref<20480000xf32, #tpu.memory_space<hbm>> -> memref<40000xf32, #tpu.memory_space<hbm>>
    %dma_wait3A_679 = tpu.memref_slice %arg3[%multiple_of3A_633] : memref<20480000xf32, #tpu.memory_space<hbm>> -> memref<40000xf32, #tpu.memory_space<hbm>>
    %dma_wait3A_680 = arith.constant 0 : i32
    %dma_wait3A_681 = tpu.memref_slice %arg4[%dma_wait3A_680] : memref<120000xf32, #tpu.memory_space<vmem>> -> memref<40000xf32, #tpu.memory_space<vmem>>
    tpu.wait_dma2 semaphore(%arg6 : memref<!tpu.dma_semaphore, #tpu.memory_space<semaphore_mem>>) src(%dma_wait3A_681 : memref<40000xf32, #tpu.memory_space<vmem>>) dst(%dma_wait3A_679 : memref<40000xf32, #tpu.memory_space<hbm>>)
    %mul3A_682 = arith.constant 160000 : i32
    %mul3A_683 = arith.muli %select_n3A_247, %mul3A_682 : i32
    %add3A_684 = arith.constant 80000 : i32
    %add3A_685 = arith.addi %mul3A_683, %add3A_684 : i32
    %multiple_of3A_686 = tpu.assume_multiple %add3A_685, 8 : i32
    %dma_start3A_687 = arith.constant 0 : i32
    %dma_start3A_688 = tpu.memref_slice %arg4[%dma_start3A_687] : memref<120000xf32, #tpu.memory_space<vmem>> -> memref<40000xf32, #tpu.memory_space<vmem>>
    %dma_start3A_689 = tpu.memref_slice %arg2[%multiple_of3A_686] : memref<20480000xf32, #tpu.memory_space<hbm>> -> memref<40000xf32, #tpu.memory_space<hbm>>
    %dma_start3A_690 = arith.constant 0 : i32
    %dma_start3A_691 = tpu.memref_slice %arg4[%dma_start3A_690] : memref<120000xf32, #tpu.memory_space<vmem>> -> memref<40000xf32, #tpu.memory_space<vmem>>
    %dma_start3A_692 = tpu.memref_slice %arg2[%multiple_of3A_686] : memref<20480000xf32, #tpu.memory_space<hbm>> -> memref<40000xf32, #tpu.memory_space<hbm>>
    tpu.enqueue_dma source(%dma_start3A_692 : memref<40000xf32, #tpu.memory_space<hbm>>) target(%dma_start3A_691 : memref<40000xf32, #tpu.memory_space<vmem>>) target_semaphore(%arg5 : memref<!tpu.dma_semaphore, #tpu.memory_space<semaphore_mem>>)
    %dma_wait3A_693 = arith.constant 80000 : i32
    %dma_wait3A_694 = tpu.memref_slice %arg4[%dma_wait3A_693] : memref<120000xf32, #tpu.memory_space<vmem>> -> memref<40000xf32, #tpu.memory_space<vmem>>
    %dma_wait3A_695 = tpu.memref_slice %arg2[%multiple_of3A_650] : memref<20480000xf32, #tpu.memory_space<hbm>> -> memref<40000xf32, #tpu.memory_space<hbm>>
    %dma_wait3A_696 = arith.constant 80000 : i32
    %dma_wait3A_697 = tpu.memref_slice %arg4[%dma_wait3A_696] : memref<120000xf32, #tpu.memory_space<vmem>> -> memref<40000xf32, #tpu.memory_space<vmem>>
    %dma_wait3A_698 = tpu.memref_slice %arg2[%multiple_of3A_650] : memref<20480000xf32, #tpu.memory_space<hbm>> -> memref<40000xf32, #tpu.memory_space<hbm>>
    tpu.wait_dma2 semaphore(%arg5 : memref<!tpu.dma_semaphore, #tpu.memory_space<semaphore_mem>>) src(%dma_wait3A_698 : memref<40000xf32, #tpu.memory_space<hbm>>) dst(%dma_wait3A_697 : memref<40000xf32, #tpu.memory_space<vmem>>)
    %add3A_699 = arith.constant 1 : i32
    %add3A_700 = arith.addi %mul3A_499, %add3A_699 : i32
    %mul3A_701 = arith.constant 160000 : i32
    %mul3A_702 = arith.muli %add3A_700, %mul3A_701 : i32
    %add3A_703 = arith.constant 40000 : i32
    %add3A_704 = arith.addi %mul3A_702, %add3A_703 : i32
    %multiple_of3A_705 = tpu.assume_multiple %add3A_704, 8 : i32
    %dma_start3A_706 = arith.constant 80000 : i32
    %dma_start3A_707 = tpu.memref_slice %arg4[%dma_start3A_706] : memref<120000xf32, #tpu.memory_space<vmem>> -> memref<40000xf32, #tpu.memory_space<vmem>>
    %dma_start3A_708 = tpu.memref_slice %arg3[%multiple_of3A_705] : memref<20480000xf32, #tpu.memory_space<hbm>> -> memref<40000xf32, #tpu.memory_space<hbm>>
    %dma_start3A_709 = tpu.memref_slice %arg3[%multiple_of3A_705] : memref<20480000xf32, #tpu.memory_space<hbm>> -> memref<40000xf32, #tpu.memory_space<hbm>>
    %dma_start3A_710 = arith.constant 80000 : i32
    %dma_start3A_711 = tpu.memref_slice %arg4[%dma_start3A_710] : memref<120000xf32, #tpu.memory_space<vmem>> -> memref<40000xf32, #tpu.memory_space<vmem>>
    tpu.enqueue_dma source(%dma_start3A_711 : memref<40000xf32, #tpu.memory_space<vmem>>) target(%dma_start3A_709 : memref<40000xf32, #tpu.memory_space<hbm>>) target_semaphore(%arg6 : memref<!tpu.dma_semaphore, #tpu.memory_space<semaphore_mem>>)
    %dma_wait3A_712 = arith.constant 40000 : i32
    %dma_wait3A_713 = tpu.memref_slice %arg4[%dma_wait3A_712] : memref<120000xf32, #tpu.memory_space<vmem>> -> memref<40000xf32, #tpu.memory_space<vmem>>
    %dma_wait3A_714 = tpu.memref_slice %arg3[%multiple_of3A_669] : memref<20480000xf32, #tpu.memory_space<hbm>> -> memref<40000xf32, #tpu.memory_space<hbm>>
    %dma_wait3A_715 = tpu.memref_slice %arg3[%multiple_of3A_669] : memref<20480000xf32, #tpu.memory_space<hbm>> -> memref<40000xf32, #tpu.memory_space<hbm>>
    %dma_wait3A_716 = arith.constant 40000 : i32
    %dma_wait3A_717 = tpu.memref_slice %arg4[%dma_wait3A_716] : memref<120000xf32, #tpu.memory_space<vmem>> -> memref<40000xf32, #tpu.memory_space<vmem>>
    tpu.wait_dma2 semaphore(%arg6 : memref<!tpu.dma_semaphore, #tpu.memory_space<semaphore_mem>>) src(%dma_wait3A_717 : memref<40000xf32, #tpu.memory_space<vmem>>) dst(%dma_wait3A_715 : memref<40000xf32, #tpu.memory_space<hbm>>)
    %mul3A_718 = arith.constant 160000 : i32
    %mul3A_719 = arith.muli %select_n3A_247, %mul3A_718 : i32
    %add3A_720 = arith.constant 120000 : i32
    %add3A_721 = arith.addi %mul3A_719, %add3A_720 : i32
    %multiple_of3A_722 = tpu.assume_multiple %add3A_721, 8 : i32
    %dma_start3A_723 = arith.constant 40000 : i32
    %dma_start3A_724 = tpu.memref_slice %arg4[%dma_start3A_723] : memref<120000xf32, #tpu.memory_space<vmem>> -> memref<40000xf32, #tpu.memory_space<vmem>>
    %dma_start3A_725 = tpu.memref_slice %arg2[%multiple_of3A_722] : memref<20480000xf32, #tpu.memory_space<hbm>> -> memref<40000xf32, #tpu.memory_space<hbm>>
    %dma_start3A_726 = arith.constant 40000 : i32
    %dma_start3A_727 = tpu.memref_slice %arg4[%dma_start3A_726] : memref<120000xf32, #tpu.memory_space<vmem>> -> memref<40000xf32, #tpu.memory_space<vmem>>
    %dma_start3A_728 = tpu.memref_slice %arg2[%multiple_of3A_722] : memref<20480000xf32, #tpu.memory_space<hbm>> -> memref<40000xf32, #tpu.memory_space<hbm>>
    tpu.enqueue_dma source(%dma_start3A_728 : memref<40000xf32, #tpu.memory_space<hbm>>) target(%dma_start3A_727 : memref<40000xf32, #tpu.memory_space<vmem>>) target_semaphore(%arg5 : memref<!tpu.dma_semaphore, #tpu.memory_space<semaphore_mem>>)
    %dma_wait3A_729 = arith.constant 0 : i32
    %dma_wait3A_730 = tpu.memref_slice %arg4[%dma_wait3A_729] : memref<120000xf32, #tpu.memory_space<vmem>> -> memref<40000xf32, #tpu.memory_space<vmem>>
    %dma_wait3A_731 = tpu.memref_slice %arg2[%multiple_of3A_686] : memref<20480000xf32, #tpu.memory_space<hbm>> -> memref<40000xf32, #tpu.memory_space<hbm>>
    %dma_wait3A_732 = arith.constant 0 : i32
    %dma_wait3A_733 = tpu.memref_slice %arg4[%dma_wait3A_732] : memref<120000xf32, #tpu.memory_space<vmem>> -> memref<40000xf32, #tpu.memory_space<vmem>>
    %dma_wait3A_734 = tpu.memref_slice %arg2[%multiple_of3A_686] : memref<20480000xf32, #tpu.memory_space<hbm>> -> memref<40000xf32, #tpu.memory_space<hbm>>
    tpu.wait_dma2 semaphore(%arg5 : memref<!tpu.dma_semaphore, #tpu.memory_space<semaphore_mem>>) src(%dma_wait3A_734 : memref<40000xf32, #tpu.memory_space<hbm>>) dst(%dma_wait3A_733 : memref<40000xf32, #tpu.memory_space<vmem>>)
    %add3A_735 = arith.constant 1 : i32
    %add3A_736 = arith.addi %mul3A_499, %add3A_735 : i32
    %mul3A_737 = arith.constant 160000 : i32
    %mul3A_738 = arith.muli %add3A_736, %mul3A_737 : i32
    %add3A_739 = arith.constant 80000 : i32
    %add3A_740 = arith.addi %mul3A_738, %add3A_739 : i32
    %multiple_of3A_741 = tpu.assume_multiple %add3A_740, 8 : i32
    %dma_start3A_742 = arith.constant 0 : i32
    %dma_start3A_743 = tpu.memref_slice %arg4[%dma_start3A_742] : memref<120000xf32, #tpu.memory_space<vmem>> -> memref<40000xf32, #tpu.memory_space<vmem>>
    %dma_start3A_744 = tpu.memref_slice %arg3[%multiple_of3A_741] : memref<20480000xf32, #tpu.memory_space<hbm>> -> memref<40000xf32, #tpu.memory_space<hbm>>
    %dma_start3A_745 = tpu.memref_slice %arg3[%multiple_of3A_741] : memref<20480000xf32, #tpu.memory_space<hbm>> -> memref<40000xf32, #tpu.memory_space<hbm>>
    %dma_start3A_746 = arith.constant 0 : i32
    %dma_start3A_747 = tpu.memref_slice %arg4[%dma_start3A_746] : memref<120000xf32, #tpu.memory_space<vmem>> -> memref<40000xf32, #tpu.memory_space<vmem>>
    tpu.enqueue_dma source(%dma_start3A_747 : memref<40000xf32, #tpu.memory_space<vmem>>) target(%dma_start3A_745 : memref<40000xf32, #tpu.memory_space<hbm>>) target_semaphore(%arg6 : memref<!tpu.dma_semaphore, #tpu.memory_space<semaphore_mem>>)
    %dma_wait3A_748 = arith.constant 80000 : i32
    %dma_wait3A_749 = tpu.memref_slice %arg4[%dma_wait3A_748] : memref<120000xf32, #tpu.memory_space<vmem>> -> memref<40000xf32, #tpu.memory_space<vmem>>
    %dma_wait3A_750 = tpu.memref_slice %arg3[%multiple_of3A_705] : memref<20480000xf32, #tpu.memory_space<hbm>> -> memref<40000xf32, #tpu.memory_space<hbm>>
    %dma_wait3A_751 = tpu.memref_slice %arg3[%multiple_of3A_705] : memref<20480000xf32, #tpu.memory_space<hbm>> -> memref<40000xf32, #tpu.memory_space<hbm>>
    %dma_wait3A_752 = arith.constant 80000 : i32
    %dma_wait3A_753 = tpu.memref_slice %arg4[%dma_wait3A_752] : memref<120000xf32, #tpu.memory_space<vmem>> -> memref<40000xf32, #tpu.memory_space<vmem>>
    tpu.wait_dma2 semaphore(%arg6 : memref<!tpu.dma_semaphore, #tpu.memory_space<semaphore_mem>>) src(%dma_wait3A_753 : memref<40000xf32, #tpu.memory_space<vmem>>) dst(%dma_wait3A_751 : memref<40000xf32, #tpu.memory_space<hbm>>)
    %mul3A_754 = arith.constant 160000 : i32
    %mul3A_755 = arith.muli %select_n3A_372, %mul3A_754 : i32
    %add3A_756 = arith.constant 0 : i32
    %add3A_757 = arith.addi %mul3A_755, %add3A_756 : i32
    %multiple_of3A_758 = tpu.assume_multiple %add3A_757, 8 : i32
    %dma_start3A_759 = arith.constant 80000 : i32
    %dma_start3A_760 = tpu.memref_slice %arg4[%dma_start3A_759] : memref<120000xf32, #tpu.memory_space<vmem>> -> memref<40000xf32, #tpu.memory_space<vmem>>
    %dma_start3A_761 = tpu.memref_slice %arg2[%multiple_of3A_758] : memref<20480000xf32, #tpu.memory_space<hbm>> -> memref<40000xf32, #tpu.memory_space<hbm>>
    %dma_start3A_762 = arith.constant 80000 : i32
    %dma_start3A_763 = tpu.memref_slice %arg4[%dma_start3A_762] : memref<120000xf32, #tpu.memory_space<vmem>> -> memref<40000xf32, #tpu.memory_space<vmem>>
    %dma_start3A_764 = tpu.memref_slice %arg2[%multiple_of3A_758] : memref<20480000xf32, #tpu.memory_space<hbm>> -> memref<40000xf32, #tpu.memory_space<hbm>>
    tpu.enqueue_dma source(%dma_start3A_764 : memref<40000xf32, #tpu.memory_space<hbm>>) target(%dma_start3A_763 : memref<40000xf32, #tpu.memory_space<vmem>>) target_semaphore(%arg5 : memref<!tpu.dma_semaphore, #tpu.memory_space<semaphore_mem>>)
    %dma_wait3A_765 = arith.constant 40000 : i32
    %dma_wait3A_766 = tpu.memref_slice %arg4[%dma_wait3A_765] : memref<120000xf32, #tpu.memory_space<vmem>> -> memref<40000xf32, #tpu.memory_space<vmem>>
    %dma_wait3A_767 = tpu.memref_slice %arg2[%multiple_of3A_722] : memref<20480000xf32, #tpu.memory_space<hbm>> -> memref<40000xf32, #tpu.memory_space<hbm>>
    %dma_wait3A_768 = arith.constant 40000 : i32
    %dma_wait3A_769 = tpu.memref_slice %arg4[%dma_wait3A_768] : memref<120000xf32, #tpu.memory_space<vmem>> -> memref<40000xf32, #tpu.memory_space<vmem>>
    %dma_wait3A_770 = tpu.memref_slice %arg2[%multiple_of3A_722] : memref<20480000xf32, #tpu.memory_space<hbm>> -> memref<40000xf32, #tpu.memory_space<hbm>>
    tpu.wait_dma2 semaphore(%arg5 : memref<!tpu.dma_semaphore, #tpu.memory_space<semaphore_mem>>) src(%dma_wait3A_770 : memref<40000xf32, #tpu.memory_space<hbm>>) dst(%dma_wait3A_769 : memref<40000xf32, #tpu.memory_space<vmem>>)
    %add3A_771 = arith.constant 1 : i32
    %add3A_772 = arith.addi %mul3A_499, %add3A_771 : i32
    %mul3A_773 = arith.constant 160000 : i32
    %mul3A_774 = arith.muli %add3A_772, %mul3A_773 : i32
    %add3A_775 = arith.constant 120000 : i32
    %add3A_776 = arith.addi %mul3A_774, %add3A_775 : i32
    %multiple_of3A_777 = tpu.assume_multiple %add3A_776, 8 : i32
    %dma_start3A_778 = arith.constant 40000 : i32
    %dma_start3A_779 = tpu.memref_slice %arg4[%dma_start3A_778] : memref<120000xf32, #tpu.memory_space<vmem>> -> memref<40000xf32, #tpu.memory_space<vmem>>
    %dma_start3A_780 = tpu.memref_slice %arg3[%multiple_of3A_777] : memref<20480000xf32, #tpu.memory_space<hbm>> -> memref<40000xf32, #tpu.memory_space<hbm>>
    %dma_start3A_781 = tpu.memref_slice %arg3[%multiple_of3A_777] : memref<20480000xf32, #tpu.memory_space<hbm>> -> memref<40000xf32, #tpu.memory_space<hbm>>
    %dma_start3A_782 = arith.constant 40000 : i32
    %dma_start3A_783 = tpu.memref_slice %arg4[%dma_start3A_782] : memref<120000xf32, #tpu.memory_space<vmem>> -> memref<40000xf32, #tpu.memory_space<vmem>>
    tpu.enqueue_dma source(%dma_start3A_783 : memref<40000xf32, #tpu.memory_space<vmem>>) target(%dma_start3A_781 : memref<40000xf32, #tpu.memory_space<hbm>>) target_semaphore(%arg6 : memref<!tpu.dma_semaphore, #tpu.memory_space<semaphore_mem>>)
    %dma_wait3A_784 = arith.constant 0 : i32
    %dma_wait3A_785 = tpu.memref_slice %arg4[%dma_wait3A_784] : memref<120000xf32, #tpu.memory_space<vmem>> -> memref<40000xf32, #tpu.memory_space<vmem>>
    %dma_wait3A_786 = tpu.memref_slice %arg3[%multiple_of3A_741] : memref<20480000xf32, #tpu.memory_space<hbm>> -> memref<40000xf32, #tpu.memory_space<hbm>>
    %dma_wait3A_787 = tpu.memref_slice %arg3[%multiple_of3A_741] : memref<20480000xf32, #tpu.memory_space<hbm>> -> memref<40000xf32, #tpu.memory_space<hbm>>
    %dma_wait3A_788 = arith.constant 0 : i32
    %dma_wait3A_789 = tpu.memref_slice %arg4[%dma_wait3A_788] : memref<120000xf32, #tpu.memory_space<vmem>> -> memref<40000xf32, #tpu.memory_space<vmem>>
    tpu.wait_dma2 semaphore(%arg6 : memref<!tpu.dma_semaphore, #tpu.memory_space<semaphore_mem>>) src(%dma_wait3A_789 : memref<40000xf32, #tpu.memory_space<vmem>>) dst(%dma_wait3A_787 : memref<40000xf32, #tpu.memory_space<hbm>>)
    %mul3A_790 = arith.constant 160000 : i32
    %mul3A_791 = arith.muli %select_n3A_372, %mul3A_790 : i32
    %add3A_792 = arith.constant 40000 : i32
    %add3A_793 = arith.addi %mul3A_791, %add3A_792 : i32
    %multiple_of3A_794 = tpu.assume_multiple %add3A_793, 8 : i32
    %dma_start3A_795 = arith.constant 0 : i32
    %dma_start3A_796 = tpu.memref_slice %arg4[%dma_start3A_795] : memref<120000xf32, #tpu.memory_space<vmem>> -> memref<40000xf32, #tpu.memory_space<vmem>>
    %dma_start3A_797 = tpu.memref_slice %arg2[%multiple_of3A_794] : memref<20480000xf32, #tpu.memory_space<hbm>> -> memref<40000xf32, #tpu.memory_space<hbm>>
    %dma_start3A_798 = arith.constant 0 : i32
    %dma_start3A_799 = tpu.memref_slice %arg4[%dma_start3A_798] : memref<120000xf32, #tpu.memory_space<vmem>> -> memref<40000xf32, #tpu.memory_space<vmem>>
    %dma_start3A_800 = tpu.memref_slice %arg2[%multiple_of3A_794] : memref<20480000xf32, #tpu.memory_space<hbm>> -> memref<40000xf32, #tpu.memory_space<hbm>>
    tpu.enqueue_dma source(%dma_start3A_800 : memref<40000xf32, #tpu.memory_space<hbm>>) target(%dma_start3A_799 : memref<40000xf32, #tpu.memory_space<vmem>>) target_semaphore(%arg5 : memref<!tpu.dma_semaphore, #tpu.memory_space<semaphore_mem>>)
    %dma_wait3A_801 = arith.constant 80000 : i32
    %dma_wait3A_802 = tpu.memref_slice %arg4[%dma_wait3A_801] : memref<120000xf32, #tpu.memory_space<vmem>> -> memref<40000xf32, #tpu.memory_space<vmem>>
    %dma_wait3A_803 = tpu.memref_slice %arg2[%multiple_of3A_758] : memref<20480000xf32, #tpu.memory_space<hbm>> -> memref<40000xf32, #tpu.memory_space<hbm>>
    %dma_wait3A_804 = arith.constant 80000 : i32
    %dma_wait3A_805 = tpu.memref_slice %arg4[%dma_wait3A_804] : memref<120000xf32, #tpu.memory_space<vmem>> -> memref<40000xf32, #tpu.memory_space<vmem>>
    %dma_wait3A_806 = tpu.memref_slice %arg2[%multiple_of3A_758] : memref<20480000xf32, #tpu.memory_space<hbm>> -> memref<40000xf32, #tpu.memory_space<hbm>>
    tpu.wait_dma2 semaphore(%arg5 : memref<!tpu.dma_semaphore, #tpu.memory_space<semaphore_mem>>) src(%dma_wait3A_806 : memref<40000xf32, #tpu.memory_space<hbm>>) dst(%dma_wait3A_805 : memref<40000xf32, #tpu.memory_space<vmem>>)
    %add3A_807 = arith.constant 2 : i32
    %add3A_808 = arith.addi %mul3A_499, %add3A_807 : i32
    %mul3A_809 = arith.constant 160000 : i32
    %mul3A_810 = arith.muli %add3A_808, %mul3A_809 : i32
    %add3A_811 = arith.constant 0 : i32
    %add3A_812 = arith.addi %mul3A_810, %add3A_811 : i32
    %multiple_of3A_813 = tpu.assume_multiple %add3A_812, 8 : i32
    %dma_start3A_814 = arith.constant 80000 : i32
    %dma_start3A_815 = tpu.memref_slice %arg4[%dma_start3A_814] : memref<120000xf32, #tpu.memory_space<vmem>> -> memref<40000xf32, #tpu.memory_space<vmem>>
    %dma_start3A_816 = tpu.memref_slice %arg3[%multiple_of3A_813] : memref<20480000xf32, #tpu.memory_space<hbm>> -> memref<40000xf32, #tpu.memory_space<hbm>>
    %dma_start3A_817 = tpu.memref_slice %arg3[%multiple_of3A_813] : memref<20480000xf32, #tpu.memory_space<hbm>> -> memref<40000xf32, #tpu.memory_space<hbm>>
    %dma_start3A_818 = arith.constant 80000 : i32
    %dma_start3A_819 = tpu.memref_slice %arg4[%dma_start3A_818] : memref<120000xf32, #tpu.memory_space<vmem>> -> memref<40000xf32, #tpu.memory_space<vmem>>
    tpu.enqueue_dma source(%dma_start3A_819 : memref<40000xf32, #tpu.memory_space<vmem>>) target(%dma_start3A_817 : memref<40000xf32, #tpu.memory_space<hbm>>) target_semaphore(%arg6 : memref<!tpu.dma_semaphore, #tpu.memory_space<semaphore_mem>>)
    %dma_wait3A_820 = arith.constant 40000 : i32
    %dma_wait3A_821 = tpu.memref_slice %arg4[%dma_wait3A_820] : memref<120000xf32, #tpu.memory_space<vmem>> -> memref<40000xf32, #tpu.memory_space<vmem>>
    %dma_wait3A_822 = tpu.memref_slice %arg3[%multiple_of3A_777] : memref<20480000xf32, #tpu.memory_space<hbm>> -> memref<40000xf32, #tpu.memory_space<hbm>>
    %dma_wait3A_823 = tpu.memref_slice %arg3[%multiple_of3A_777] : memref<20480000xf32, #tpu.memory_space<hbm>> -> memref<40000xf32, #tpu.memory_space<hbm>>
    %dma_wait3A_824 = arith.constant 40000 : i32
    %dma_wait3A_825 = tpu.memref_slice %arg4[%dma_wait3A_824] : memref<120000xf32, #tpu.memory_space<vmem>> -> memref<40000xf32, #tpu.memory_space<vmem>>
    tpu.wait_dma2 semaphore(%arg6 : memref<!tpu.dma_semaphore, #tpu.memory_space<semaphore_mem>>) src(%dma_wait3A_825 : memref<40000xf32, #tpu.memory_space<vmem>>) dst(%dma_wait3A_823 : memref<40000xf32, #tpu.memory_space<hbm>>)
    %mul3A_826 = arith.constant 160000 : i32
    %mul3A_827 = arith.muli %select_n3A_372, %mul3A_826 : i32
    %add3A_828 = arith.constant 80000 : i32
    %add3A_829 = arith.addi %mul3A_827, %add3A_828 : i32
    %multiple_of3A_830 = tpu.assume_multiple %add3A_829, 8 : i32
    %dma_start3A_831 = arith.constant 40000 : i32
    %dma_start3A_832 = tpu.memref_slice %arg4[%dma_start3A_831] : memref<120000xf32, #tpu.memory_space<vmem>> -> memref<40000xf32, #tpu.memory_space<vmem>>
    %dma_start3A_833 = tpu.memref_slice %arg2[%multiple_of3A_830] : memref<20480000xf32, #tpu.memory_space<hbm>> -> memref<40000xf32, #tpu.memory_space<hbm>>
    %dma_start3A_834 = arith.constant 40000 : i32
    %dma_start3A_835 = tpu.memref_slice %arg4[%dma_start3A_834] : memref<120000xf32, #tpu.memory_space<vmem>> -> memref<40000xf32, #tpu.memory_space<vmem>>
    %dma_start3A_836 = tpu.memref_slice %arg2[%multiple_of3A_830] : memref<20480000xf32, #tpu.memory_space<hbm>> -> memref<40000xf32, #tpu.memory_space<hbm>>
    tpu.enqueue_dma source(%dma_start3A_836 : memref<40000xf32, #tpu.memory_space<hbm>>) target(%dma_start3A_835 : memref<40000xf32, #tpu.memory_space<vmem>>) target_semaphore(%arg5 : memref<!tpu.dma_semaphore, #tpu.memory_space<semaphore_mem>>)
    %dma_wait3A_837 = arith.constant 0 : i32
    %dma_wait3A_838 = tpu.memref_slice %arg4[%dma_wait3A_837] : memref<120000xf32, #tpu.memory_space<vmem>> -> memref<40000xf32, #tpu.memory_space<vmem>>
    %dma_wait3A_839 = tpu.memref_slice %arg2[%multiple_of3A_794] : memref<20480000xf32, #tpu.memory_space<hbm>> -> memref<40000xf32, #tpu.memory_space<hbm>>
    %dma_wait3A_840 = arith.constant 0 : i32
    %dma_wait3A_841 = tpu.memref_slice %arg4[%dma_wait3A_840] : memref<120000xf32, #tpu.memory_space<vmem>> -> memref<40000xf32, #tpu.memory_space<vmem>>
    %dma_wait3A_842 = tpu.memref_slice %arg2[%multiple_of3A_794] : memref<20480000xf32, #tpu.memory_space<hbm>> -> memref<40000xf32, #tpu.memory_space<hbm>>
    tpu.wait_dma2 semaphore(%arg5 : memref<!tpu.dma_semaphore, #tpu.memory_space<semaphore_mem>>) src(%dma_wait3A_842 : memref<40000xf32, #tpu.memory_space<hbm>>) dst(%dma_wait3A_841 : memref<40000xf32, #tpu.memory_space<vmem>>)
    %add3A_843 = arith.constant 2 : i32
    %add3A_844 = arith.addi %mul3A_499, %add3A_843 : i32
    %mul3A_845 = arith.constant 160000 : i32
    %mul3A_846 = arith.muli %add3A_844, %mul3A_845 : i32
    %add3A_847 = arith.constant 40000 : i32
    %add3A_848 = arith.addi %mul3A_846, %add3A_847 : i32
    %multiple_of3A_849 = tpu.assume_multiple %add3A_848, 8 : i32
    %dma_start3A_850 = arith.constant 0 : i32
    %dma_start3A_851 = tpu.memref_slice %arg4[%dma_start3A_850] : memref<120000xf32, #tpu.memory_space<vmem>> -> memref<40000xf32, #tpu.memory_space<vmem>>
    %dma_start3A_852 = tpu.memref_slice %arg3[%multiple_of3A_849] : memref<20480000xf32, #tpu.memory_space<hbm>> -> memref<40000xf32, #tpu.memory_space<hbm>>
    %dma_start3A_853 = tpu.memref_slice %arg3[%multiple_of3A_849] : memref<20480000xf32, #tpu.memory_space<hbm>> -> memref<40000xf32, #tpu.memory_space<hbm>>
    %dma_start3A_854 = arith.constant 0 : i32
    %dma_start3A_855 = tpu.memref_slice %arg4[%dma_start3A_854] : memref<120000xf32, #tpu.memory_space<vmem>> -> memref<40000xf32, #tpu.memory_space<vmem>>
    tpu.enqueue_dma source(%dma_start3A_855 : memref<40000xf32, #tpu.memory_space<vmem>>) target(%dma_start3A_853 : memref<40000xf32, #tpu.memory_space<hbm>>) target_semaphore(%arg6 : memref<!tpu.dma_semaphore, #tpu.memory_space<semaphore_mem>>)
    %dma_wait3A_856 = arith.constant 80000 : i32
    %dma_wait3A_857 = tpu.memref_slice %arg4[%dma_wait3A_856] : memref<120000xf32, #tpu.memory_space<vmem>> -> memref<40000xf32, #tpu.memory_space<vmem>>
    %dma_wait3A_858 = tpu.memref_slice %arg3[%multiple_of3A_813] : memref<20480000xf32, #tpu.memory_space<hbm>> -> memref<40000xf32, #tpu.memory_space<hbm>>
    %dma_wait3A_859 = tpu.memref_slice %arg3[%multiple_of3A_813] : memref<20480000xf32, #tpu.memory_space<hbm>> -> memref<40000xf32, #tpu.memory_space<hbm>>
    %dma_wait3A_860 = arith.constant 80000 : i32
    %dma_wait3A_861 = tpu.memref_slice %arg4[%dma_wait3A_860] : memref<120000xf32, #tpu.memory_space<vmem>> -> memref<40000xf32, #tpu.memory_space<vmem>>
    tpu.wait_dma2 semaphore(%arg6 : memref<!tpu.dma_semaphore, #tpu.memory_space<semaphore_mem>>) src(%dma_wait3A_861 : memref<40000xf32, #tpu.memory_space<vmem>>) dst(%dma_wait3A_859 : memref<40000xf32, #tpu.memory_space<hbm>>)
    %mul3A_862 = arith.constant 160000 : i32
    %mul3A_863 = arith.muli %select_n3A_372, %mul3A_862 : i32
    %add3A_864 = arith.constant 120000 : i32
    %add3A_865 = arith.addi %mul3A_863, %add3A_864 : i32
    %multiple_of3A_866 = tpu.assume_multiple %add3A_865, 8 : i32
    %dma_start3A_867 = arith.constant 80000 : i32
    %dma_start3A_868 = tpu.memref_slice %arg4[%dma_start3A_867] : memref<120000xf32, #tpu.memory_space<vmem>> -> memref<40000xf32, #tpu.memory_space<vmem>>
    %dma_start3A_869 = tpu.memref_slice %arg2[%multiple_of3A_866] : memref<20480000xf32, #tpu.memory_space<hbm>> -> memref<40000xf32, #tpu.memory_space<hbm>>
    %dma_start3A_870 = arith.constant 80000 : i32
    %dma_start3A_871 = tpu.memref_slice %arg4[%dma_start3A_870] : memref<120000xf32, #tpu.memory_space<vmem>> -> memref<40000xf32, #tpu.memory_space<vmem>>
    %dma_start3A_872 = tpu.memref_slice %arg2[%multiple_of3A_866] : memref<20480000xf32, #tpu.memory_space<hbm>> -> memref<40000xf32, #tpu.memory_space<hbm>>
    tpu.enqueue_dma source(%dma_start3A_872 : memref<40000xf32, #tpu.memory_space<hbm>>) target(%dma_start3A_871 : memref<40000xf32, #tpu.memory_space<vmem>>) target_semaphore(%arg5 : memref<!tpu.dma_semaphore, #tpu.memory_space<semaphore_mem>>)
    %dma_wait3A_873 = arith.constant 40000 : i32
    %dma_wait3A_874 = tpu.memref_slice %arg4[%dma_wait3A_873] : memref<120000xf32, #tpu.memory_space<vmem>> -> memref<40000xf32, #tpu.memory_space<vmem>>
    %dma_wait3A_875 = tpu.memref_slice %arg2[%multiple_of3A_830] : memref<20480000xf32, #tpu.memory_space<hbm>> -> memref<40000xf32, #tpu.memory_space<hbm>>
    %dma_wait3A_876 = arith.constant 40000 : i32
    %dma_wait3A_877 = tpu.memref_slice %arg4[%dma_wait3A_876] : memref<120000xf32, #tpu.memory_space<vmem>> -> memref<40000xf32, #tpu.memory_space<vmem>>
    %dma_wait3A_878 = tpu.memref_slice %arg2[%multiple_of3A_830] : memref<20480000xf32, #tpu.memory_space<hbm>> -> memref<40000xf32, #tpu.memory_space<hbm>>
    tpu.wait_dma2 semaphore(%arg5 : memref<!tpu.dma_semaphore, #tpu.memory_space<semaphore_mem>>) src(%dma_wait3A_878 : memref<40000xf32, #tpu.memory_space<hbm>>) dst(%dma_wait3A_877 : memref<40000xf32, #tpu.memory_space<vmem>>)
    %add3A_879 = arith.constant 2 : i32
    %add3A_880 = arith.addi %mul3A_499, %add3A_879 : i32
    %mul3A_881 = arith.constant 160000 : i32
    %mul3A_882 = arith.muli %add3A_880, %mul3A_881 : i32
    %add3A_883 = arith.constant 80000 : i32
    %add3A_884 = arith.addi %mul3A_882, %add3A_883 : i32
    %multiple_of3A_885 = tpu.assume_multiple %add3A_884, 8 : i32
    %dma_start3A_886 = arith.constant 40000 : i32
    %dma_start3A_887 = tpu.memref_slice %arg4[%dma_start3A_886] : memref<120000xf32, #tpu.memory_space<vmem>> -> memref<40000xf32, #tpu.memory_space<vmem>>
    %dma_start3A_888 = tpu.memref_slice %arg3[%multiple_of3A_885] : memref<20480000xf32, #tpu.memory_space<hbm>> -> memref<40000xf32, #tpu.memory_space<hbm>>
    %dma_start3A_889 = tpu.memref_slice %arg3[%multiple_of3A_885] : memref<20480000xf32, #tpu.memory_space<hbm>> -> memref<40000xf32, #tpu.memory_space<hbm>>
    %dma_start3A_890 = arith.constant 40000 : i32
    %dma_start3A_891 = tpu.memref_slice %arg4[%dma_start3A_890] : memref<120000xf32, #tpu.memory_space<vmem>> -> memref<40000xf32, #tpu.memory_space<vmem>>
    tpu.enqueue_dma source(%dma_start3A_891 : memref<40000xf32, #tpu.memory_space<vmem>>) target(%dma_start3A_889 : memref<40000xf32, #tpu.memory_space<hbm>>) target_semaphore(%arg6 : memref<!tpu.dma_semaphore, #tpu.memory_space<semaphore_mem>>)
    %dma_wait3A_892 = arith.constant 0 : i32
    %dma_wait3A_893 = tpu.memref_slice %arg4[%dma_wait3A_892] : memref<120000xf32, #tpu.memory_space<vmem>> -> memref<40000xf32, #tpu.memory_space<vmem>>
    %dma_wait3A_894 = tpu.memref_slice %arg3[%multiple_of3A_849] : memref<20480000xf32, #tpu.memory_space<hbm>> -> memref<40000xf32, #tpu.memory_space<hbm>>
    %dma_wait3A_895 = tpu.memref_slice %arg3[%multiple_of3A_849] : memref<20480000xf32, #tpu.memory_space<hbm>> -> memref<40000xf32, #tpu.memory_space<hbm>>
    %dma_wait3A_896 = arith.constant 0 : i32
    %dma_wait3A_897 = tpu.memref_slice %arg4[%dma_wait3A_896] : memref<120000xf32, #tpu.memory_space<vmem>> -> memref<40000xf32, #tpu.memory_space<vmem>>
    tpu.wait_dma2 semaphore(%arg6 : memref<!tpu.dma_semaphore, #tpu.memory_space<semaphore_mem>>) src(%dma_wait3A_897 : memref<40000xf32, #tpu.memory_space<vmem>>) dst(%dma_wait3A_895 : memref<40000xf32, #tpu.memory_space<hbm>>)
    %mul3A_898 = arith.constant 160000 : i32
    %mul3A_899 = arith.muli %select_n3A_497, %mul3A_898 : i32
    %add3A_900 = arith.constant 0 : i32
    %add3A_901 = arith.addi %mul3A_899, %add3A_900 : i32
    %multiple_of3A_902 = tpu.assume_multiple %add3A_901, 8 : i32
    %dma_start3A_903 = arith.constant 0 : i32
    %dma_start3A_904 = tpu.memref_slice %arg4[%dma_start3A_903] : memref<120000xf32, #tpu.memory_space<vmem>> -> memref<40000xf32, #tpu.memory_space<vmem>>
    %dma_start3A_905 = tpu.memref_slice %arg2[%multiple_of3A_902] : memref<20480000xf32, #tpu.memory_space<hbm>> -> memref<40000xf32, #tpu.memory_space<hbm>>
    %dma_start3A_906 = arith.constant 0 : i32
    %dma_start3A_907 = tpu.memref_slice %arg4[%dma_start3A_906] : memref<120000xf32, #tpu.memory_space<vmem>> -> memref<40000xf32, #tpu.memory_space<vmem>>
    %dma_start3A_908 = tpu.memref_slice %arg2[%multiple_of3A_902] : memref<20480000xf32, #tpu.memory_space<hbm>> -> memref<40000xf32, #tpu.memory_space<hbm>>
    tpu.enqueue_dma source(%dma_start3A_908 : memref<40000xf32, #tpu.memory_space<hbm>>) target(%dma_start3A_907 : memref<40000xf32, #tpu.memory_space<vmem>>) target_semaphore(%arg5 : memref<!tpu.dma_semaphore, #tpu.memory_space<semaphore_mem>>)
    %dma_wait3A_909 = arith.constant 80000 : i32
    %dma_wait3A_910 = tpu.memref_slice %arg4[%dma_wait3A_909] : memref<120000xf32, #tpu.memory_space<vmem>> -> memref<40000xf32, #tpu.memory_space<vmem>>
    %dma_wait3A_911 = tpu.memref_slice %arg2[%multiple_of3A_866] : memref<20480000xf32, #tpu.memory_space<hbm>> -> memref<40000xf32, #tpu.memory_space<hbm>>
    %dma_wait3A_912 = arith.constant 80000 : i32
    %dma_wait3A_913 = tpu.memref_slice %arg4[%dma_wait3A_912] : memref<120000xf32, #tpu.memory_space<vmem>> -> memref<40000xf32, #tpu.memory_space<vmem>>
    %dma_wait3A_914 = tpu.memref_slice %arg2[%multiple_of3A_866] : memref<20480000xf32, #tpu.memory_space<hbm>> -> memref<40000xf32, #tpu.memory_space<hbm>>
    tpu.wait_dma2 semaphore(%arg5 : memref<!tpu.dma_semaphore, #tpu.memory_space<semaphore_mem>>) src(%dma_wait3A_914 : memref<40000xf32, #tpu.memory_space<hbm>>) dst(%dma_wait3A_913 : memref<40000xf32, #tpu.memory_space<vmem>>)
    %add3A_915 = arith.constant 2 : i32
    %add3A_916 = arith.addi %mul3A_499, %add3A_915 : i32
    %mul3A_917 = arith.constant 160000 : i32
    %mul3A_918 = arith.muli %add3A_916, %mul3A_917 : i32
    %add3A_919 = arith.constant 120000 : i32
    %add3A_920 = arith.addi %mul3A_918, %add3A_919 : i32
    %multiple_of3A_921 = tpu.assume_multiple %add3A_920, 8 : i32
    %dma_start3A_922 = arith.constant 80000 : i32
    %dma_start3A_923 = tpu.memref_slice %arg4[%dma_start3A_922] : memref<120000xf32, #tpu.memory_space<vmem>> -> memref<40000xf32, #tpu.memory_space<vmem>>
    %dma_start3A_924 = tpu.memref_slice %arg3[%multiple_of3A_921] : memref<20480000xf32, #tpu.memory_space<hbm>> -> memref<40000xf32, #tpu.memory_space<hbm>>
    %dma_start3A_925 = tpu.memref_slice %arg3[%multiple_of3A_921] : memref<20480000xf32, #tpu.memory_space<hbm>> -> memref<40000xf32, #tpu.memory_space<hbm>>
    %dma_start3A_926 = arith.constant 80000 : i32
    %dma_start3A_927 = tpu.memref_slice %arg4[%dma_start3A_926] : memref<120000xf32, #tpu.memory_space<vmem>> -> memref<40000xf32, #tpu.memory_space<vmem>>
    tpu.enqueue_dma source(%dma_start3A_927 : memref<40000xf32, #tpu.memory_space<vmem>>) target(%dma_start3A_925 : memref<40000xf32, #tpu.memory_space<hbm>>) target_semaphore(%arg6 : memref<!tpu.dma_semaphore, #tpu.memory_space<semaphore_mem>>)
    %dma_wait3A_928 = arith.constant 40000 : i32
    %dma_wait3A_929 = tpu.memref_slice %arg4[%dma_wait3A_928] : memref<120000xf32, #tpu.memory_space<vmem>> -> memref<40000xf32, #tpu.memory_space<vmem>>
    %dma_wait3A_930 = tpu.memref_slice %arg3[%multiple_of3A_885] : memref<20480000xf32, #tpu.memory_space<hbm>> -> memref<40000xf32, #tpu.memory_space<hbm>>
    %dma_wait3A_931 = tpu.memref_slice %arg3[%multiple_of3A_885] : memref<20480000xf32, #tpu.memory_space<hbm>> -> memref<40000xf32, #tpu.memory_space<hbm>>
    %dma_wait3A_932 = arith.constant 40000 : i32
    %dma_wait3A_933 = tpu.memref_slice %arg4[%dma_wait3A_932] : memref<120000xf32, #tpu.memory_space<vmem>> -> memref<40000xf32, #tpu.memory_space<vmem>>
    tpu.wait_dma2 semaphore(%arg6 : memref<!tpu.dma_semaphore, #tpu.memory_space<semaphore_mem>>) src(%dma_wait3A_933 : memref<40000xf32, #tpu.memory_space<vmem>>) dst(%dma_wait3A_931 : memref<40000xf32, #tpu.memory_space<hbm>>)
    %mul3A_934 = arith.constant 160000 : i32
    %mul3A_935 = arith.muli %select_n3A_497, %mul3A_934 : i32
    %add3A_936 = arith.constant 40000 : i32
    %add3A_937 = arith.addi %mul3A_935, %add3A_936 : i32
    %multiple_of3A_938 = tpu.assume_multiple %add3A_937, 8 : i32
    %dma_start3A_939 = arith.constant 40000 : i32
    %dma_start3A_940 = tpu.memref_slice %arg4[%dma_start3A_939] : memref<120000xf32, #tpu.memory_space<vmem>> -> memref<40000xf32, #tpu.memory_space<vmem>>
    %dma_start3A_941 = tpu.memref_slice %arg2[%multiple_of3A_938] : memref<20480000xf32, #tpu.memory_space<hbm>> -> memref<40000xf32, #tpu.memory_space<hbm>>
    %dma_start3A_942 = arith.constant 40000 : i32
    %dma_start3A_943 = tpu.memref_slice %arg4[%dma_start3A_942] : memref<120000xf32, #tpu.memory_space<vmem>> -> memref<40000xf32, #tpu.memory_space<vmem>>
    %dma_start3A_944 = tpu.memref_slice %arg2[%multiple_of3A_938] : memref<20480000xf32, #tpu.memory_space<hbm>> -> memref<40000xf32, #tpu.memory_space<hbm>>
    tpu.enqueue_dma source(%dma_start3A_944 : memref<40000xf32, #tpu.memory_space<hbm>>) target(%dma_start3A_943 : memref<40000xf32, #tpu.memory_space<vmem>>) target_semaphore(%arg5 : memref<!tpu.dma_semaphore, #tpu.memory_space<semaphore_mem>>)
    %dma_wait3A_945 = arith.constant 0 : i32
    %dma_wait3A_946 = tpu.memref_slice %arg4[%dma_wait3A_945] : memref<120000xf32, #tpu.memory_space<vmem>> -> memref<40000xf32, #tpu.memory_space<vmem>>
    %dma_wait3A_947 = tpu.memref_slice %arg2[%multiple_of3A_902] : memref<20480000xf32, #tpu.memory_space<hbm>> -> memref<40000xf32, #tpu.memory_space<hbm>>
    %dma_wait3A_948 = arith.constant 0 : i32
    %dma_wait3A_949 = tpu.memref_slice %arg4[%dma_wait3A_948] : memref<120000xf32, #tpu.memory_space<vmem>> -> memref<40000xf32, #tpu.memory_space<vmem>>
    %dma_wait3A_950 = tpu.memref_slice %arg2[%multiple_of3A_902] : memref<20480000xf32, #tpu.memory_space<hbm>> -> memref<40000xf32, #tpu.memory_space<hbm>>
    tpu.wait_dma2 semaphore(%arg5 : memref<!tpu.dma_semaphore, #tpu.memory_space<semaphore_mem>>) src(%dma_wait3A_950 : memref<40000xf32, #tpu.memory_space<hbm>>) dst(%dma_wait3A_949 : memref<40000xf32, #tpu.memory_space<vmem>>)
    %add3A_951 = arith.constant 3 : i32
    %add3A_952 = arith.addi %mul3A_499, %add3A_951 : i32
    %mul3A_953 = arith.constant 160000 : i32
    %mul3A_954 = arith.muli %add3A_952, %mul3A_953 : i32
    %add3A_955 = arith.constant 0 : i32
    %add3A_956 = arith.addi %mul3A_954, %add3A_955 : i32
    %multiple_of3A_957 = tpu.assume_multiple %add3A_956, 8 : i32
    %dma_start3A_958 = arith.constant 0 : i32
    %dma_start3A_959 = tpu.memref_slice %arg4[%dma_start3A_958] : memref<120000xf32, #tpu.memory_space<vmem>> -> memref<40000xf32, #tpu.memory_space<vmem>>
    %dma_start3A_960 = tpu.memref_slice %arg3[%multiple_of3A_957] : memref<20480000xf32, #tpu.memory_space<hbm>> -> memref<40000xf32, #tpu.memory_space<hbm>>
    %dma_start3A_961 = tpu.memref_slice %arg3[%multiple_of3A_957] : memref<20480000xf32, #tpu.memory_space<hbm>> -> memref<40000xf32, #tpu.memory_space<hbm>>
    %dma_start3A_962 = arith.constant 0 : i32
    %dma_start3A_963 = tpu.memref_slice %arg4[%dma_start3A_962] : memref<120000xf32, #tpu.memory_space<vmem>> -> memref<40000xf32, #tpu.memory_space<vmem>>
    tpu.enqueue_dma source(%dma_start3A_963 : memref<40000xf32, #tpu.memory_space<vmem>>) target(%dma_start3A_961 : memref<40000xf32, #tpu.memory_space<hbm>>) target_semaphore(%arg6 : memref<!tpu.dma_semaphore, #tpu.memory_space<semaphore_mem>>)
    %dma_wait3A_964 = arith.constant 80000 : i32
    %dma_wait3A_965 = tpu.memref_slice %arg4[%dma_wait3A_964] : memref<120000xf32, #tpu.memory_space<vmem>> -> memref<40000xf32, #tpu.memory_space<vmem>>
    %dma_wait3A_966 = tpu.memref_slice %arg3[%multiple_of3A_921] : memref<20480000xf32, #tpu.memory_space<hbm>> -> memref<40000xf32, #tpu.memory_space<hbm>>
    %dma_wait3A_967 = tpu.memref_slice %arg3[%multiple_of3A_921] : memref<20480000xf32, #tpu.memory_space<hbm>> -> memref<40000xf32, #tpu.memory_space<hbm>>
    %dma_wait3A_968 = arith.constant 80000 : i32
    %dma_wait3A_969 = tpu.memref_slice %arg4[%dma_wait3A_968] : memref<120000xf32, #tpu.memory_space<vmem>> -> memref<40000xf32, #tpu.memory_space<vmem>>
    tpu.wait_dma2 semaphore(%arg6 : memref<!tpu.dma_semaphore, #tpu.memory_space<semaphore_mem>>) src(%dma_wait3A_969 : memref<40000xf32, #tpu.memory_space<vmem>>) dst(%dma_wait3A_967 : memref<40000xf32, #tpu.memory_space<hbm>>)
    %mul3A_970 = arith.constant 160000 : i32
    %mul3A_971 = arith.muli %select_n3A_497, %mul3A_970 : i32
    %add3A_972 = arith.constant 80000 : i32
    %add3A_973 = arith.addi %mul3A_971, %add3A_972 : i32
    %multiple_of3A_974 = tpu.assume_multiple %add3A_973, 8 : i32
    %dma_start3A_975 = arith.constant 80000 : i32
    %dma_start3A_976 = tpu.memref_slice %arg4[%dma_start3A_975] : memref<120000xf32, #tpu.memory_space<vmem>> -> memref<40000xf32, #tpu.memory_space<vmem>>
    %dma_start3A_977 = tpu.memref_slice %arg2[%multiple_of3A_974] : memref<20480000xf32, #tpu.memory_space<hbm>> -> memref<40000xf32, #tpu.memory_space<hbm>>
    %dma_start3A_978 = arith.constant 80000 : i32
    %dma_start3A_979 = tpu.memref_slice %arg4[%dma_start3A_978] : memref<120000xf32, #tpu.memory_space<vmem>> -> memref<40000xf32, #tpu.memory_space<vmem>>
    %dma_start3A_980 = tpu.memref_slice %arg2[%multiple_of3A_974] : memref<20480000xf32, #tpu.memory_space<hbm>> -> memref<40000xf32, #tpu.memory_space<hbm>>
    tpu.enqueue_dma source(%dma_start3A_980 : memref<40000xf32, #tpu.memory_space<hbm>>) target(%dma_start3A_979 : memref<40000xf32, #tpu.memory_space<vmem>>) target_semaphore(%arg5 : memref<!tpu.dma_semaphore, #tpu.memory_space<semaphore_mem>>)
    %dma_wait3A_981 = arith.constant 40000 : i32
    %dma_wait3A_982 = tpu.memref_slice %arg4[%dma_wait3A_981] : memref<120000xf32, #tpu.memory_space<vmem>> -> memref<40000xf32, #tpu.memory_space<vmem>>
    %dma_wait3A_983 = tpu.memref_slice %arg2[%multiple_of3A_938] : memref<20480000xf32, #tpu.memory_space<hbm>> -> memref<40000xf32, #tpu.memory_space<hbm>>
    %dma_wait3A_984 = arith.constant 40000 : i32
    %dma_wait3A_985 = tpu.memref_slice %arg4[%dma_wait3A_984] : memref<120000xf32, #tpu.memory_space<vmem>> -> memref<40000xf32, #tpu.memory_space<vmem>>
    %dma_wait3A_986 = tpu.memref_slice %arg2[%multiple_of3A_938] : memref<20480000xf32, #tpu.memory_space<hbm>> -> memref<40000xf32, #tpu.memory_space<hbm>>
    tpu.wait_dma2 semaphore(%arg5 : memref<!tpu.dma_semaphore, #tpu.memory_space<semaphore_mem>>) src(%dma_wait3A_986 : memref<40000xf32, #tpu.memory_space<hbm>>) dst(%dma_wait3A_985 : memref<40000xf32, #tpu.memory_space<vmem>>)
    %add3A_987 = arith.constant 3 : i32
    %add3A_988 = arith.addi %mul3A_499, %add3A_987 : i32
    %mul3A_989 = arith.constant 160000 : i32
    %mul3A_990 = arith.muli %add3A_988, %mul3A_989 : i32
    %add3A_991 = arith.constant 40000 : i32
    %add3A_992 = arith.addi %mul3A_990, %add3A_991 : i32
    %multiple_of3A_993 = tpu.assume_multiple %add3A_992, 8 : i32
    %dma_start3A_994 = arith.constant 40000 : i32
    %dma_start3A_995 = tpu.memref_slice %arg4[%dma_start3A_994] : memref<120000xf32, #tpu.memory_space<vmem>> -> memref<40000xf32, #tpu.memory_space<vmem>>
    %dma_start3A_996 = tpu.memref_slice %arg3[%multiple_of3A_993] : memref<20480000xf32, #tpu.memory_space<hbm>> -> memref<40000xf32, #tpu.memory_space<hbm>>
    %dma_start3A_997 = tpu.memref_slice %arg3[%multiple_of3A_993] : memref<20480000xf32, #tpu.memory_space<hbm>> -> memref<40000xf32, #tpu.memory_space<hbm>>
    %dma_start3A_998 = arith.constant 40000 : i32
    %dma_start3A_999 = tpu.memref_slice %arg4[%dma_start3A_998] : memref<120000xf32, #tpu.memory_space<vmem>> -> memref<40000xf32, #tpu.memory_space<vmem>>
    tpu.enqueue_dma source(%dma_start3A_999 : memref<40000xf32, #tpu.memory_space<vmem>>) target(%dma_start3A_997 : memref<40000xf32, #tpu.memory_space<hbm>>) target_semaphore(%arg6 : memref<!tpu.dma_semaphore, #tpu.memory_space<semaphore_mem>>)
    %dma_wait3A_1000 = arith.constant 0 : i32
    %dma_wait3A_1001 = tpu.memref_slice %arg4[%dma_wait3A_1000] : memref<120000xf32, #tpu.memory_space<vmem>> -> memref<40000xf32, #tpu.memory_space<vmem>>
    %dma_wait3A_1002 = tpu.memref_slice %arg3[%multiple_of3A_957] : memref<20480000xf32, #tpu.memory_space<hbm>> -> memref<40000xf32, #tpu.memory_space<hbm>>
    %dma_wait3A_1003 = tpu.memref_slice %arg3[%multiple_of3A_957] : memref<20480000xf32, #tpu.memory_space<hbm>> -> memref<40000xf32, #tpu.memory_space<hbm>>
    %dma_wait3A_1004 = arith.constant 0 : i32
    %dma_wait3A_1005 = tpu.memref_slice %arg4[%dma_wait3A_1004] : memref<120000xf32, #tpu.memory_space<vmem>> -> memref<40000xf32, #tpu.memory_space<vmem>>
    tpu.wait_dma2 semaphore(%arg6 : memref<!tpu.dma_semaphore, #tpu.memory_space<semaphore_mem>>) src(%dma_wait3A_1005 : memref<40000xf32, #tpu.memory_space<vmem>>) dst(%dma_wait3A_1003 : memref<40000xf32, #tpu.memory_space<hbm>>)
    %mul3A_1006 = arith.constant 160000 : i32
    %mul3A_1007 = arith.muli %select_n3A_497, %mul3A_1006 : i32
    %add3A_1008 = arith.constant 120000 : i32
    %add3A_1009 = arith.addi %mul3A_1007, %add3A_1008 : i32
    %multiple_of3A_1010 = tpu.assume_multiple %add3A_1009, 8 : i32
    %dma_start3A_1011 = arith.constant 0 : i32
    %dma_start3A_1012 = tpu.memref_slice %arg4[%dma_start3A_1011] : memref<120000xf32, #tpu.memory_space<vmem>> -> memref<40000xf32, #tpu.memory_space<vmem>>
    %dma_start3A_1013 = tpu.memref_slice %arg2[%multiple_of3A_1010] : memref<20480000xf32, #tpu.memory_space<hbm>> -> memref<40000xf32, #tpu.memory_space<hbm>>
    %dma_start3A_1014 = arith.constant 0 : i32
    %dma_start3A_1015 = tpu.memref_slice %arg4[%dma_start3A_1014] : memref<120000xf32, #tpu.memory_space<vmem>> -> memref<40000xf32, #tpu.memory_space<vmem>>
    %dma_start3A_1016 = tpu.memref_slice %arg2[%multiple_of3A_1010] : memref<20480000xf32, #tpu.memory_space<hbm>> -> memref<40000xf32, #tpu.memory_space<hbm>>
    tpu.enqueue_dma source(%dma_start3A_1016 : memref<40000xf32, #tpu.memory_space<hbm>>) target(%dma_start3A_1015 : memref<40000xf32, #tpu.memory_space<vmem>>) target_semaphore(%arg5 : memref<!tpu.dma_semaphore, #tpu.memory_space<semaphore_mem>>)
    %dma_wait3A_1017 = arith.constant 80000 : i32
    %dma_wait3A_1018 = tpu.memref_slice %arg4[%dma_wait3A_1017] : memref<120000xf32, #tpu.memory_space<vmem>> -> memref<40000xf32, #tpu.memory_space<vmem>>
    %dma_wait3A_1019 = tpu.memref_slice %arg2[%multiple_of3A_974] : memref<20480000xf32, #tpu.memory_space<hbm>> -> memref<40000xf32, #tpu.memory_space<hbm>>
    %dma_wait3A_1020 = arith.constant 80000 : i32
    %dma_wait3A_1021 = tpu.memref_slice %arg4[%dma_wait3A_1020] : memref<120000xf32, #tpu.memory_space<vmem>> -> memref<40000xf32, #tpu.memory_space<vmem>>
    %dma_wait3A_1022 = tpu.memref_slice %arg2[%multiple_of3A_974] : memref<20480000xf32, #tpu.memory_space<hbm>> -> memref<40000xf32, #tpu.memory_space<hbm>>
    tpu.wait_dma2 semaphore(%arg5 : memref<!tpu.dma_semaphore, #tpu.memory_space<semaphore_mem>>) src(%dma_wait3A_1022 : memref<40000xf32, #tpu.memory_space<hbm>>) dst(%dma_wait3A_1021 : memref<40000xf32, #tpu.memory_space<vmem>>)
    %add3A_1023 = arith.constant 3 : i32
    %add3A_1024 = arith.addi %mul3A_499, %add3A_1023 : i32
    %mul3A_1025 = arith.constant 160000 : i32
    %mul3A_1026 = arith.muli %add3A_1024, %mul3A_1025 : i32
    %add3A_1027 = arith.constant 80000 : i32
    %add3A_1028 = arith.addi %mul3A_1026, %add3A_1027 : i32
    %multiple_of3A_1029 = tpu.assume_multiple %add3A_1028, 8 : i32
    %dma_start3A_1030 = arith.constant 80000 : i32
    %dma_start3A_1031 = tpu.memref_slice %arg4[%dma_start3A_1030] : memref<120000xf32, #tpu.memory_space<vmem>> -> memref<40000xf32, #tpu.memory_space<vmem>>
    %dma_start3A_1032 = tpu.memref_slice %arg3[%multiple_of3A_1029] : memref<20480000xf32, #tpu.memory_space<hbm>> -> memref<40000xf32, #tpu.memory_space<hbm>>
    %dma_start3A_1033 = tpu.memref_slice %arg3[%multiple_of3A_1029] : memref<20480000xf32, #tpu.memory_space<hbm>> -> memref<40000xf32, #tpu.memory_space<hbm>>
    %dma_start3A_1034 = arith.constant 80000 : i32
    %dma_start3A_1035 = tpu.memref_slice %arg4[%dma_start3A_1034] : memref<120000xf32, #tpu.memory_space<vmem>> -> memref<40000xf32, #tpu.memory_space<vmem>>
    tpu.enqueue_dma source(%dma_start3A_1035 : memref<40000xf32, #tpu.memory_space<vmem>>) target(%dma_start3A_1033 : memref<40000xf32, #tpu.memory_space<hbm>>) target_semaphore(%arg6 : memref<!tpu.dma_semaphore, #tpu.memory_space<semaphore_mem>>)
    %dma_wait3A_1036 = arith.constant 0 : i32
    %dma_wait3A_1037 = tpu.memref_slice %arg4[%dma_wait3A_1036] : memref<120000xf32, #tpu.memory_space<vmem>> -> memref<40000xf32, #tpu.memory_space<vmem>>
    %dma_wait3A_1038 = tpu.memref_slice %arg2[%multiple_of3A_1010] : memref<20480000xf32, #tpu.memory_space<hbm>> -> memref<40000xf32, #tpu.memory_space<hbm>>
    %dma_wait3A_1039 = arith.constant 0 : i32
    %dma_wait3A_1040 = tpu.memref_slice %arg4[%dma_wait3A_1039] : memref<120000xf32, #tpu.memory_space<vmem>> -> memref<40000xf32, #tpu.memory_space<vmem>>
    %dma_wait3A_1041 = tpu.memref_slice %arg2[%multiple_of3A_1010] : memref<20480000xf32, #tpu.memory_space<hbm>> -> memref<40000xf32, #tpu.memory_space<hbm>>
    tpu.wait_dma2 semaphore(%arg5 : memref<!tpu.dma_semaphore, #tpu.memory_space<semaphore_mem>>) src(%dma_wait3A_1041 : memref<40000xf32, #tpu.memory_space<hbm>>) dst(%dma_wait3A_1040 : memref<40000xf32, #tpu.memory_space<vmem>>)
    %add3A_1042 = arith.constant 3 : i32
    %add3A_1043 = arith.addi %mul3A_499, %add3A_1042 : i32
    %mul3A_1044 = arith.constant 160000 : i32
    %mul3A_1045 = arith.muli %add3A_1043, %mul3A_1044 : i32
    %add3A_1046 = arith.constant 120000 : i32
    %add3A_1047 = arith.addi %mul3A_1045, %add3A_1046 : i32
    %multiple_of3A_1048 = tpu.assume_multiple %add3A_1047, 8 : i32
    %dma_start3A_1049 = arith.constant 0 : i32
    %dma_start3A_1050 = tpu.memref_slice %arg4[%dma_start3A_1049] : memref<120000xf32, #tpu.memory_space<vmem>> -> memref<40000xf32, #tpu.memory_space<vmem>>
    %dma_start3A_1051 = tpu.memref_slice %arg3[%multiple_of3A_1048] : memref<20480000xf32, #tpu.memory_space<hbm>> -> memref<40000xf32, #tpu.memory_space<hbm>>
    %dma_start3A_1052 = tpu.memref_slice %arg3[%multiple_of3A_1048] : memref<20480000xf32, #tpu.memory_space<hbm>> -> memref<40000xf32, #tpu.memory_space<hbm>>
    %dma_start3A_1053 = arith.constant 0 : i32
    %dma_start3A_1054 = tpu.memref_slice %arg4[%dma_start3A_1053] : memref<120000xf32, #tpu.memory_space<vmem>> -> memref<40000xf32, #tpu.memory_space<vmem>>
    tpu.enqueue_dma source(%dma_start3A_1054 : memref<40000xf32, #tpu.memory_space<vmem>>) target(%dma_start3A_1052 : memref<40000xf32, #tpu.memory_space<hbm>>) target_semaphore(%arg6 : memref<!tpu.dma_semaphore, #tpu.memory_space<semaphore_mem>>)
    %dma_wait3A_1055 = arith.constant 40000 : i32
    %dma_wait3A_1056 = tpu.memref_slice %arg4[%dma_wait3A_1055] : memref<120000xf32, #tpu.memory_space<vmem>> -> memref<40000xf32, #tpu.memory_space<vmem>>
    %dma_wait3A_1057 = tpu.memref_slice %arg3[%multiple_of3A_993] : memref<20480000xf32, #tpu.memory_space<hbm>> -> memref<40000xf32, #tpu.memory_space<hbm>>
    %dma_wait3A_1058 = tpu.memref_slice %arg3[%multiple_of3A_993] : memref<20480000xf32, #tpu.memory_space<hbm>> -> memref<40000xf32, #tpu.memory_space<hbm>>
    %dma_wait3A_1059 = arith.constant 40000 : i32
    %dma_wait3A_1060 = tpu.memref_slice %arg4[%dma_wait3A_1059] : memref<120000xf32, #tpu.memory_space<vmem>> -> memref<40000xf32, #tpu.memory_space<vmem>>
    tpu.wait_dma2 semaphore(%arg6 : memref<!tpu.dma_semaphore, #tpu.memory_space<semaphore_mem>>) src(%dma_wait3A_1060 : memref<40000xf32, #tpu.memory_space<vmem>>) dst(%dma_wait3A_1058 : memref<40000xf32, #tpu.memory_space<hbm>>)
    %dma_wait3A_1061 = arith.constant 80000 : i32
    %dma_wait3A_1062 = tpu.memref_slice %arg4[%dma_wait3A_1061] : memref<120000xf32, #tpu.memory_space<vmem>> -> memref<40000xf32, #tpu.memory_space<vmem>>
    %dma_wait3A_1063 = tpu.memref_slice %arg3[%multiple_of3A_1029] : memref<20480000xf32, #tpu.memory_space<hbm>> -> memref<40000xf32, #tpu.memory_space<hbm>>
    %dma_wait3A_1064 = tpu.memref_slice %arg3[%multiple_of3A_1029] : memref<20480000xf32, #tpu.memory_space<hbm>> -> memref<40000xf32, #tpu.memory_space<hbm>>
    %dma_wait3A_1065 = arith.constant 80000 : i32
    %dma_wait3A_1066 = tpu.memref_slice %arg4[%dma_wait3A_1065] : memref<120000xf32, #tpu.memory_space<vmem>> -> memref<40000xf32, #tpu.memory_space<vmem>>
    tpu.wait_dma2 semaphore(%arg6 : memref<!tpu.dma_semaphore, #tpu.memory_space<semaphore_mem>>) src(%dma_wait3A_1066 : memref<40000xf32, #tpu.memory_space<vmem>>) dst(%dma_wait3A_1064 : memref<40000xf32, #tpu.memory_space<hbm>>)
    %dma_wait3A_1067 = arith.constant 0 : i32
    %dma_wait3A_1068 = tpu.memref_slice %arg4[%dma_wait3A_1067] : memref<120000xf32, #tpu.memory_space<vmem>> -> memref<40000xf32, #tpu.memory_space<vmem>>
    %dma_wait3A_1069 = tpu.memref_slice %arg3[%multiple_of3A_1048] : memref<20480000xf32, #tpu.memory_space<hbm>> -> memref<40000xf32, #tpu.memory_space<hbm>>
    %dma_wait3A_1070 = tpu.memref_slice %arg3[%multiple_of3A_1048] : memref<20480000xf32, #tpu.memory_space<hbm>> -> memref<40000xf32, #tpu.memory_space<hbm>>
    %dma_wait3A_1071 = arith.constant 0 : i32
    %dma_wait3A_1072 = tpu.memref_slice %arg4[%dma_wait3A_1071] : memref<120000xf32, #tpu.memory_space<vmem>> -> memref<40000xf32, #tpu.memory_space<vmem>>
    tpu.wait_dma2 semaphore(%arg6 : memref<!tpu.dma_semaphore, #tpu.memory_space<semaphore_mem>>) src(%dma_wait3A_1072 : memref<40000xf32, #tpu.memory_space<vmem>>) dst(%dma_wait3A_1070 : memref<40000xf32, #tpu.memory_space<hbm>>)
    return
  }
}

</mosaic_0001>

<sc_bundles>
// kernel: sc_remix_copy.3.cloned.1.call-start
scs
__scs_entry_jumppad:
0x0: {  	(pc) =	sbr.rel $0x88, $3  }
0x1: {  	(tag) =	ssettag $0x0;
	lr =	simm.s32 $0x1  }
0x2: {  	[smem:$0x3FA0] =	sst lr;
	_ =	strace $0xD0000000  }
0x3: {  	_ = 	snop  }
0x4: {  	_ = 	snop  }
0x5: {  	_ = 	snop  }
0x6: {  	_ = 	snop  }
0x7: {  	_ = 	snop  }
__scs_overlays_trampoline_lowered:
0x8: {  	[smem:$0x3FAF] =	sst s0  }
0x9: {  	[smem:$0x3FB0] =	sst s1  }
0xa: {  	[smem:$0x3FB1] =	sst s2  }
0xb: {  	[smem:$0x3FB2] =	sst s3  }
0xc: {  	[smem:$0x3FB3] =	sst s4  }
0xd: {  	[smem:$0x3FB4] =	sst s5  }
0xe: {  	[smem:$0x3FB5] =	sst s6  }
0xf: {  	[smem:$0x3FB6] =	sst s7  }
0x10: {  	[smem:$0x3FB7] =	sst s8  }
0x11: {  	[smem:$0x3FB8] =	sst s9;
	s0 =	simm.s32 @!p0 $0x0  }
0x12: {  	s1 =	sld [smem:$0x3F9E];
	s0 =	simm.s32 @p0 $0x1  }
0x13: {  	[smem:$0x3FB9] =	sst s0;
	s0 =	simm.s32 @!p1 $0x0  }
0x14: {  	s2 =	sld [smem:$0x3F9D];
	s0 =	simm.s32 @p1 $0x1  }
0x15: {  	[smem:$0x3FBA] =	sst s0;
	s0 =	simm.s32 @!p2 $0x0  }
0x16: {  	s3 =	sld [smem:$0x3FDB];
	s0 =	simm.s32 @p2 $0x1  }
0x17: {  	s4 =	simm.s32 $0x1BF5;
	[smem:$0x3FBC] =	sst s0  }
0x18: {  	s0 =	sld [smem:$0x3F9F];
	_ =	swait.ge [sflag:s4], $0x0  }
0x19: {  	s7 =	sld [smem:$0x3FA0]  }
0x1a: {  	s8 =	sadd.s32 $0xFFFFE003, lr  }
0x1b: {  	s9 =	sadd.s32 $0xFFFFFEF7, lr;
	s5 =	simm.s32 $0xFFFFFFFF;
	p2 =	slt.u32 s8, $0xFFFFF086  }
0x1c: {  	p1 =	slt.u32 s9, $0xF7A;
	s5 =	simm.s32 @!p2 $0x0  }
0x1d: {  	s5 =	simm.s32 @p1 $0x1;
	p0 =	seq.s32 s7, s2  }
0x1e: {  	s7 =	smul.u32 @!p0 $0xF7A, s2;
	p2 =	seq.s32 @!p0 s5, $0x0  }
0x1f: {  	s9 =	smul.u32 $0xF7A, s1;
	s8 =	simm.s32 @!p0 $0x1BF5;
	p2 =	por !p2, p0  }
0x20: {  	[sflag:s8] =	ssyncset.s32 @!p0 $0xFFFFF086;
	s6 =	sadd.s32 @!p0 s3, s7;
	s7 =	simm.s32 @!p0 $0x108  }
0x21: {  	s3 =	sadd.s32 s3, s9;
	s6 =	sadd.s32 @!p0 $0x88, s6;
	s7 =	simm.s32 @p2 $0x1082  }
0x22: {  	[simem:s7], [sflag:s8] =	dma.local @!p0 [hbm:s6], $0xF7A  }
0x23: {  	s9 =	sor.u32 $0xD0000000, s2;
	s6 =	simm.s32 $0x108;
	_ =	swait.ge @!p0 [sflag:s8], $0x0  }
0x24: {  	s3 =	sadd.s32 $0x88, s3;
	s6 =	simm.s32 @!p1 $0x1082;
	[sflag:s4] =	ssyncset.s32 $0xFFFFF086  }
0x25: {  	[simem:s6], [sflag:s4] =	dma.local [hbm:s3], $0xF7A  }
0x26: {  	[smem:$0x3FA0] =	sst s1;
	(tag) =	ssettag s2;
	_ =	strace s9  }
0x27: {  	s1 =	sld [smem:$0x3FB0]  }
0x28: {  	s2 =	sld [smem:$0x3FB1]  }
0x29: {  	s4 =	sld [smem:$0x3FB3]  }
0x2a: {  	p0 =	seq.s32 s5, $0x0;
	s5 =	sld [smem:$0x3FB4]  }
0x2b: {  	s6 =	sld [smem:$0x3FB5]  }
0x2c: {  	s7 =	sld [smem:$0x3FB6]  }
0x2d: {  	s3 =	simm.s32 $0x108;
	s8 =	sld [smem:$0x3FB7]  }
0x2e: {  	s3 =	simm.s32 @!p0 $0x1082;
	s9 =	sld [smem:$0x3FB8]  }
0x2f: {  	lr =	sadd.s32 s0, s3;
	s0 =	sld [smem:$0x3FAF]  }
0x30: {  	s3 =	sld [smem:$0x3FB2]  }
0x31: {  	[smem:$0x3FBB] =	sst s10  }
0x32: {  	s10 =	sld [smem:$0x3FB9];
	_ =	sdelay $0x3  }
0x33: {  	p0 =	seq.s32 s10, $0x1;
	s10 =	sld [smem:$0x3FBB];
	_ =	sdelay $0x3  }
0x34: {  	[smem:$0x3FBB] =	sst s10  }
0x35: {  	s10 =	sld [smem:$0x3FBA];
	_ =	sdelay $0x3  }
0x36: {  	p1 =	seq.s32 s10, $0x1;
	s10 =	sld [smem:$0x3FBB];
	_ =	sdelay $0x3  }
0x37: {  	[smem:$0x3FBB] =	sst s10  }
0x38: {  	s10 =	sld [smem:$0x3FBC]  }
0x39: {  	_ = 	snop;
	(pc) =	sbr.ind lr, $3  }
0x3a: {  	_ = 	snop  }
0x3b: {  	_ = 	snop  }
0x3c: {  	p2 =	seq.s32 s10, $0x1;
	s10 =	sld [smem:$0x3FBB]  }
0x3d: {  	_ =	shalt  }
0x3e: {  	_ =	shalt  }
0x3f: {  	_ =	shalt  }
0x40: {  	_ =	shalt  }
0x41: {  	_ =	shalt  }
0x42: {  	_ =	shalt  }
0x43: {  	_ =	shalt  }
0x44: {  	_ =	shalt  }
0x45: {  	_ =	shalt  }
0x46: {  	_ =	shalt  }
0x47: {  	_ =	shalt  }
0x48: {  	_ =	shalt  }
0x49: {  	_ =	shalt  }
0x4a: {  	_ =	shalt  }
0x4b: {  	_ =	shalt  }
0x4c: {  	_ =	shalt  }
0x4d: {  	_ =	shalt  }
0x4e: {  	_ =	shalt  }
0x4f: {  	_ =	shalt  }
0x50: {  	_ =	shalt  }
0x51: {  	_ =	shalt  }
0x52: {  	_ =	shalt  }
0x53: {  	_ =	shalt  }
0x54: {  	_ =	shalt  }
0x55: {  	_ =	shalt  }
0x56: {  	_ =	shalt  }
0x57: {  	_ =	shalt  }
0x58: {  	_ =	shalt  }
0x59: {  	_ =	shalt  }
0x5a: {  	_ =	shalt  }
0x5b: {  	_ =	shalt  }
0x5c: {  	_ =	shalt  }
0x5d: {  	_ =	shalt  }
0x5e: {  	_ =	shalt  }
0x5f: {  	_ =	shalt  }
0x60: {  	_ =	shalt  }
0x61: {  	_ =	shalt  }
0x62: {  	_ =	shalt  }
0x63: {  	_ =	shalt  }
0x64: {  	_ =	shalt  }
0x65: {  	_ =	shalt  }
0x66: {  	_ =	shalt  }
0x67: {  	_ =	shalt  }
0x68: {  	_ =	shalt  }
0x69: {  	_ =	shalt  }
0x6a: {  	_ =	shalt  }
0x6b: {  	_ =	shalt  }
0x6c: {  	_ =	shalt  }
0x6d: {  	_ =	shalt  }
0x6e: {  	_ =	shalt  }
0x6f: {  	_ =	shalt  }
0x70: {  	_ =	shalt  }
0x71: {  	_ =	shalt  }
0x72: {  	_ =	shalt  }
0x73: {  	_ =	shalt  }
0x74: {  	_ =	shalt  }
0x75: {  	_ =	shalt  }
0x76: {  	_ =	shalt  }
0x77: {  	_ =	shalt  }
0x78: {  	_ =	shalt  }
0x79: {  	_ =	shalt  }
0x7a: {  	_ =	shalt  }
0x7b: {  	_ =	shalt  }
0x7c: {  	_ =	shalt  }
0x7d: {  	_ =	shalt  }
0x7e: {  	_ =	shalt  }
0x7f: {  	_ =	shalt  }
0x80: {  	_ =	shalt  }
0x81: {  	_ =	shalt  }
0x82: {  	_ =	shalt  }
0x83: {  	_ =	shalt  }
0x84: {  	_ =	shalt  }
0x85: {  	_ =	shalt  }
0x86: {  	_ =	shalt  }
0x87: {  	_ =	shalt  }
.Lfunc_end0:
.L_simem_size_0:
called_computation_lowered:
.L_overlay_start_0:
0x88: {  	s2 =	sld [smem:$0x3FD9]  }
0x89: {  	s3 =	sld [smem:$0x3FFE];
	_ =	sdelay $0x1  }
0x8a: {  	s1 =	srdreg.scid  }
0x8b: {  	s0 =	sand.u32 $0x1, s1  }
0x8c: {  	s18 =	sshll.u32 s0, $0xA;
	s2 =	sadd.s32 s3, s2  }
0x8d: {  	s2 =	sadd.s32 s2, s18  }
0x8e: {  	[smem:$0x3FC7] =	sst s2  }
0x8f: {  	_ = 	snop  }
0x90: {  	s2 =	sld [smem:$0x3FC9]  }
0x91: {  	s19 =	sld [smem:$0x3FD0];
	(tm) =	ssettm $0x1  }
0x92: {  	s4 =	sld [smem:$0x3FFB];
	_ =	sdelay $0x3  }
0x93: {  	_ =	strace s4  }
0x94: {  	s4 =	sld [smem:$0x3FFC];
	_ =	sdelay $0x3  }
0x95: {  	_ =	strace s4  }
0x96: {  	s4 =	sld [smem:$0x3FFD];
	_ =	sdelay $0x3  }
0x97: {  	_ =	strace s4  }
0x98: {  	_ =	strace $0x8FFFFFFF  }
0x99: {  	s20 =	sld [smem:$0x3FDB];
	_ =	sdelay $0x1  }
0x9a: {  	s5 =	simm.s32 $_scs_section_size  }
0x9b: {  	s6 =	simm.s32 $_size__tile_overlayer_lowered;
	s7 =	simm.s32 $_tile_overlayer_lowered  }
0x9c: {  	s23 =	simm.s32 $0x1BFF;
	s22 =	sshll.u32 s7, $0x1;
	s4 =	sadd.s32 s5, s20  }
0x9d: {  	s8 =	simm.s32 $0x0;
	s21 =	sshll.u32 s6, $0x1;
	s6 =	sadd.s32 s22, s4  }
0x9e: {  	[timem:s8], [sflag:s23] =	dma.local [hbm:s6], s21  }
0x9f: {  	_ =	swait.ge [sflag:s23], s21  }
0xa0: {  	s5 =	ssub.s32 $0x0, s21;
	[sflag:s23] =	ssyncset.done $0x0  }
0xa1: {  	[sflag:s23] =	ssyncadd.s32 s5;
	_ =	sdelay $0x1  }
0xa2: {  	s24 =	simm.s32 $0x1B8B  }
0xa3: {  	_ =	swait.ge [sflag:s24], $0x1  }
0xa4: {  	[sflag:s24] =	ssyncset.done $0x0  }
0xa5: {  	s25 =	simm.s32 $0x1B8E;
	[sflag:s24] =	ssyncadd.s32 $0xFFFFFFFF  }
0xa6: {  	s26 =	simm.s32 $execute0_lowered;
	[smem:$0x3FD2] =	sst s25  }
0xa7: {  	s5 =	sshll.u32 s26, $0x1;
	_ =	strace $0x80000046;
	[dreg:$0x1] =	wrdreg $0xFFFFFFFF  }
0xa8: {  	s28 =	simm.s32 $_size_execute0_lowered;
	s4 =	sadd.s32 s4, s5;
	[dreg:$0x0] =	wrdreg $0x0  }
0xa9: {  	s5 =	sshll.u32 s28, $0x1;
	[dreg:$0x2] =	wrdreg s4  }
0xaa: {  	[dreg:$0x3] =	wrdreg s5  }
0xab: {  	[dreg:$0x4] =	wrdreg $0xC0  }
0xac: {  	_ =	task [dreg:s8], $0x5FFFF  }
0xad: {  	[dreg:$0x1] =	wrdreg $0xFFFFFFFF  }
0xae: {  	[dreg:$0x0] =	wrdreg $0x60  }
0xaf: {  	[dreg:$0x2] =	wrdreg s2  }
0xb0: {  	[dreg:$0x3] =	wrdreg s19  }
0xb1: {  	[dreg:$0x4] =	wrdreg $0x9  }
0xb2: {  	_ =	task.clear_ibuf [dreg:s8], $0x5FFFF;
	_ =	strace $0x90000046  }
0xb3: {  	s29 =	simm.s32 $0x9;
	_ =	strace $0x80000048  }
0xb4: {  	_ =	swait.ge [sflag:s29], $0x1  }
0xb5: {  	[sflag:s29] =	ssyncadd.s32 $0xFFFFFFFF  }
0xb6: {  	_ =	strace $0x90000048  }
0xb7: {  	_ =	sfence  }
0xb8: {  	s30 =	sld [smem:$0x0];
	_ =	sdelay $0x2  }
0xb9: {  	s31 =	sshll.u32 s1, $0xD;
	s1 =	sshrl.u32 s1, $0x2  }
0xba: {  	s3 =	sand.u32 $0x4000, s31;
	s1 =	sadd.s32 s1, s30  }
0xbb: {  	s0 =	sor.u32 s3, s0;
	s1 =	sshll.u32 s1, $0x11  }
0xbc: {  	s0 =	sor.u32 s1, s0  }
0xbd: {  	s0 =	sadd.s32 $0x8F2B, s0  }
0xbe: {  	[sflag:s0] =	ssyncadd.remote.s32 $0x1  }
0xbf: {  	_ =	sfence.sel $0xFFFF  }
0xc0: {  	[dreg:$0x0] =	wrdreg $0xFFFFFFFF;
	(pc) =	sbr.abs _section_cstart, $3  }
0xc1: {  	[dreg:$0x1] =	wrdreg $0xFFFFFFFF  }
0xc2: {  	_ =	task.clear_ibuf [dreg:s8], $0x2FFFF;
	_ =	strace $0x9FFFFFFF  }
0xc3: {  	(tm) =	ssettm $0x7FFFFFFF  }
tec
execute0_lowered:
.L_overlay_start_1:
0x0: {  	(tag) =	ssettag $0x1  }
0x1: {  	s1 =	srdreg.scid;
	s0 =	stileid.u32  }
0x2: {  	s3 =	simm.s32 $0x334500;
	s21 =	sand.u32 $0x1, s1;
	s15 =	sshll.u32 s0, $0x1  }
0x3: {  	s6 =	rddreg [dreg:$0x1];
	s5 =	simm.s32 $0x6DDD00;
	s4 =	sor.u32 s21, s15  }
0x4: {  	s2 =	simm.s32 $0x0;
	s1 =	rddreg [dreg:$0x0];
	p2 =	seq.s32 s4, $0x1  }
0x5: {  	[smem:$0x7FF] =	sst s2;
	p5 =	seq.s32 s4, $0x2;
	s0 =	simm.s32 @!p2 $0x0  }
0x6: {  	p0 =	seq.s32 s4, $0x3;
	p6 =	seq.s32 s4, $0x4;
	s0 =	simm.s32 @p2 $0x1  }
0x7: {  	p4 =	seq.s32 s4, $0x5;
	[smem:$0x7DF] =	sst s0;
	s0 =	simm.s32 @!p5 $0x0  }
0x8: {  	p1 =	seq.s32 s4, $0x6;
	p3 =	seq.s32 s4, $0x7;
	s0 =	simm.s32 @p5 $0x1  }
0x9: {  	s3 =	simm.s32 @!p2 $0x35B600;
	[smem:$0x7E0] =	sst s0;
	s0 =	simm.s32 @!p0 $0x0  }
0xa: {  	s5 =	simm.s32 @!p2 $0x2BF200;
	s3 =	simm.s32 @p5 $0x94ED00;
	s0 =	simm.s32 @p0 $0x1  }
0xb: {  	s3 =	simm.s32 @p0 $0x4E2000;
	[smem:$0x7E1] =	sst s0;
	s0 =	simm.s32 @!p6 $0x0  }
0xc: {  	s5 =	simm.s32 @p5 $0x77A100;
	s3 =	simm.s32 @p6 $0x557300;
	s0 =	simm.s32 @p6 $0x1  }
0xd: {  	p5 =	seq.s32 s4, $0xA;
	[smem:$0x7E2] =	sst s0;
	s0 =	simm.s32 @!p4 $0x0  }
0xe: {  	s3 =	simm.s32 @p4 $0x7EF400;
	s16 =	sld [smem:$0x7E1];
	s0 =	simm.s32 @p4 $0x1  }
0xf: {  	s3 =	simm.s32 @p1 $0x864700;
	[smem:$0x7E3] =	sst s0;
	s0 =	simm.s32 @!p1 $0x0  }
0x10: {  	p0 =	seq.s32 s4, $0x8;
	s3 =	simm.s32 @p3 $0x0;
	s0 =	simm.s32 @p1 $0x1  }
0x11: {  	p2 =	seq.s32 s16, $0x1;
	[smem:$0x7E6] =	sst s0;
	s0 =	simm.s32 @!p3 $0x0  }
0x12: {  	s3 =	simm.s32 @p0 $0x7A1200;
	s5 =	simm.s32 @p2 $0x8B2900;
	s0 =	simm.s32 @p3 $0x1  }
0x13: {  	p2 =	seq.s32 s4, $0xB;
	[smem:$0x7E9] =	sst s0;
	s0 =	simm.s32 @!p0 $0x0  }
0x14: {  	s5 =	simm.s32 @p6 $0x30D400;
	p3 =	seq.s32 s4, $0x9;
	s0 =	simm.s32 @p0 $0x1  }
0x15: {  	p6 =	seq.s32 s4, $0xF;
	[smem:$0x7EB] =	sst s0;
	s0 =	simm.s32 @!p3 $0x0  }
0x16: {  	s5 =	simm.s32 @p4 $0x61A800;
	p4 =	seq.s32 s4, $0xD;
	s0 =	simm.s32 @p3 $0x1  }
0x17: {  	s3 =	simm.s32 @p3 $0x445C00;
	[smem:$0x7EC] =	sst s0;
	s0 =	simm.s32 @!p5 $0x0  }
0x18: {  	s5 =	simm.s32 @p1 $0x9C400;
	p1 =	seq.s32 s4, $0xE;
	s0 =	simm.s32 @p5 $0x1  }
0x19: {  	s3 =	simm.s32 @p5 $0x8D9A00;
	[smem:$0x7ED] =	sst s0;
	s0 =	simm.s32 @!p2 $0x0  }
0x1a: {  	s3 =	simm.s32 @p2 $0x704E00;
	p3 =	seq.s32 s4, $0xC;
	s0 =	simm.s32 @p2 $0x1  }
0x1b: {  	s3 =	simm.s32 @p3 $0x271000;
	[smem:$0x7EE] =	sst s0;
	s0 =	simm.s32 @!p3 $0x0  }
0x1c: {  	s17 =	sld [smem:$0x7E9];
	s3 =	simm.s32 @p4 $0x2E6300;
	s0 =	simm.s32 @p3 $0x1  }
0x1d: {  	s3 =	simm.s32 @p1 $0x1FBD00;
	[smem:$0x7E4] =	sst s0;
	s0 =	simm.s32 @!p4 $0x0  }
0x1e: {  	s3 =	simm.s32 @p6 $0x3D0900;
	s0 =	simm.s32 @p4 $0x1;
	s19 =	sld [smem:$0x7E4]  }
0x1f: {  	p3 =	seq.s32 s4, $0x10;
	[smem:$0x7EF] =	sst s0;
	s0 =	simm.s32 @!p1 $0x0  }
0x20: {  	s18 =	sld [smem:$0x7EC];
	s3 =	simm.s32 @p3 $0x9C4000;
	s0 =	simm.s32 @p1 $0x1  }
0x21: {  	p1 =	seq.s32 s17, $0x1;
	[smem:$0x7F0] =	sst s0;
	s0 =	simm.s32 @!p6 $0x0  }
0x22: {  	s5 =	simm.s32 @p1 $0x68FB00;
	p1 =	seq.s32 s19, $0x1;
	s0 =	simm.s32 @p6 $0x1  }
0x23: {  	s5 =	simm.s32 @p0 $0xC3500;
	p0 =	seq.s32 s18, $0x1;
	[smem:$0x7F1] =	sst s0  }
0x24: {  	s0 =	simm.s32 @!p3 $0x0;
	s5 =	simm.s32 @p0 $0x4E200;
	p0 =	seq.s32 s4, $0x11  }
0x25: {  	s0 =	simm.s32 @p3 $0x1;
	s3 =	simm.s32 @p0 $0xA60400;
	s5 =	simm.s32 @p5 $0x6B6C00  }
0x26: {  	p5 =	seq.s32 s4, $0x12;
	[smem:$0x7F2] =	sst s0;
	s0 =	simm.s32 @!p0 $0x0  }
0x27: {  	s20 =	sld [smem:$0x7F0];
	s3 =	simm.s32 @p5 $0xAFC800;
	s0 =	simm.s32 @p0 $0x1  }
0x28: {  	s5 =	simm.s32 @p2 $0x57E400;
	[smem:$0x7F3] =	sst s0;
	s0 =	simm.s32 @!p5 $0x0  }
0x29: {  	p2 =	seq.s32 s4, $0x14;
	p0 =	seq.s32 s4, $0x13;
	s0 =	simm.s32 @p5 $0x1  }
0x2a: {  	s5 =	simm.s32 @p1 $0x509100;
	[smem:$0x7F4] =	sst s0;
	s0 =	simm.s32 @!p0 $0x0  }
0x2b: {  	p1 =	seq.s32 s4, $0x15;
	s3 =	simm.s32 @p0 $0xB98C00;
	s0 =	simm.s32 @p0 $0x1  }
0x2c: {  	s5 =	simm.s32 @p4 $0x249F00;
	[smem:$0x7F5] =	sst s0;
	s0 =	simm.s32 @!p2 $0x0  }
0x2d: {  	p4 =	seq.s32 s4, $0x17;
	s22 =	sld [smem:$0x7F3];
	s0 =	simm.s32 @p2 $0x1  }
0x2e: {  	s3 =	simm.s32 @p2 $0xC35000;
	[smem:$0x7F6] =	sst s0;
	s0 =	simm.s32 @!p1 $0x0  }
0x2f: {  	s3 =	simm.s32 @p1 $0xCD1400;
	s0 =	simm.s32 @p1 $0x1;
	p1 =	seq.s32 s20, $0x1  }
0x30: {  	[smem:$0x7F7] =	sst s0;
	s5 =	simm.s32 @p1 $0x1ADB00;
	p1 =	seq.s32 s4, $0x16  }
0x31: {  	s3 =	simm.s32 @p1 $0xD6D800;
	s0 =	simm.s32 @!p1 $0x0;
	s5 =	simm.s32 @p6 $0x816500  }
0x32: {  	p6 =	seq.s32 s4, $0x19;
	s23 =	sld [smem:$0x7F7];
	s0 =	simm.s32 @p1 $0x1  }
0x33: {  	s3 =	simm.s32 @p4 $0xE09C00;
	[smem:$0x7F8] =	sst s0;
	s0 =	simm.s32 @!p4 $0x0  }
0x34: {  	s5 =	simm.s32 @p3 $0x9EB100;
	p3 =	seq.s32 s4, $0x18;
	s0 =	simm.s32 @p4 $0x1  }
0x35: {  	s3 =	simm.s32 @p3 $0xEA6000;
	[smem:$0x7F9] =	sst s0;
	s0 =	simm.s32 @!p3 $0x0  }
0x36: {  	s3 =	simm.s32 @p6 $0xF42400;
	s0 =	simm.s32 @p3 $0x1;
	p3 =	seq.s32 s22, $0x1  }
0x37: {  	[smem:$0x7FA] =	sst s0;
	s5 =	simm.s32 @p3 $0xA87500;
	s0 =	simm.s32 @!p6 $0x0  }
0x38: {  	p3 =	seq.s32 s4, $0x1A;
	s0 =	simm.s32 @p6 $0x1;
	s5 =	simm.s32 @p5 $0xB23900  }
0x39: {  	s3 =	simm.s32 @p3 $0xFDE800;
	p5 =	seq.s32 s4, $0x1B;
	[smem:$0x7FB] =	sst s0  }
0x3a: {  	s0 =	simm.s32 @!p3 $0x0;
	s5 =	simm.s32 @p0 $0xBBFD00;
	s3 =	simm.s32 @p5 $0x107AC00  }
0x3b: {  	p0 =	seq.s32 s23, $0x1;
	s0 =	simm.s32 @p3 $0x1;
	s5 =	simm.s32 @p2 $0xC5C100  }
0x3c: {  	p2 =	seq.s32 s4, $0x1C;
	[smem:$0x7E5] =	sst s0;
	s0 =	simm.s32 @!p5 $0x0  }
0x3d: {  	s3 =	simm.s32 @p2 $0x1117000;
	s5 =	simm.s32 @p0 $0xCF8500;
	p0 =	seq.s32 s4, $0x1D  }
0x3e: {  	s24 =	sld [smem:$0x7FA];
	s0 =	simm.s32 @p5 $0x1;
	s3 =	simm.s32 @p0 $0x11B3400  }
0x3f: {  	s5 =	simm.s32 @p1 $0xD94900;
	[smem:$0x7FC] =	sst s0;
	s0 =	simm.s32 @!p2 $0x0  }
0x40: {  	p1 =	seq.s32 s4, $0x1E;
	s5 =	simm.s32 @p4 $0xE30D00;
	s0 =	simm.s32 @p2 $0x1  }
0x41: {  	p4 =	seq.s32 s24, $0x1;
	[smem:$0x7FD] =	sst s0;
	s0 =	simm.s32 @!p0 $0x0  }
0x42: {  	s3 =	simm.s32 @p1 $0x124F800;
	s5 =	simm.s32 @p4 $0xECD100;
	s0 =	simm.s32 @p0 $0x1  }
0x43: {  	p0 =	seq.s32 s4, $0x1F;
	[smem:$0x7E7] =	sst s0;
	s0 =	simm.s32 @!p1 $0x0  }
0x44: {  	s4 =	smul.u32 $0x9C400, s4;
	s3 =	simm.s32 @p0 $0x12EBC00;
	s0 =	simm.s32 @p1 $0x1  }
0x45: {  	s3 =	sshrl.u32 s3, $0x3;
	[smem:$0x7E8] =	sst s0;
	s0 =	simm.s32 @!p0 $0x0  }
0x46: {  	s4 =	sshrl.u32 s4, $0x3;
	s3 =	sadd.s32 s1, s3;
	s0 =	simm.s32 @p0 $0x1  }
0x47: {  	s4 =	sadd.s32 s6, s4;
	s7 =	sadd.s32 $0x1388, s3;
	[smem:$0x7EA] =	sst s0  }
0x48: {  	s8 =	sadd.s32 $0x2710, s4;
	_ =	strace $0x80000047;
	[dreg:$0x3] =	wrdreg s7  }
0x49: {  	s5 =	simm.s32 @p6 $0xF69500;
	[dreg:$0x7] =	wrdreg s8  }
0x4a: {  	s5 =	simm.s32 @p3 $0x1005900;
	s26 =	sld [smem:$0x7E7]  }
0x4b: {  	[tilespmem:s2], [sflag:$0x1] =	stream.linear.gather [hbm4b:s3+s2], $0x9C40, $0x38;
	[tilespmem:$0x1D500] =	vst v63  }
0x4c: {  	s5 =	simm.s32 @p5 $0x10A1D00;
	s6 =	simm.s32 $0x9C40;
	s8 =	rddreg [dreg:$0x3]  }
0x4d: {  	[tilespmem:s6], [sflag:$0x1] =	stream.linear.gather [hbm4b:s8+s2], $0x9C40, $0x38;
	[tilespmem:$0x1D500] =	vst v63  }
0x4e: {  	s5 =	simm.s32 @p2 $0x113E100;
	p2 =	seq.s32 s26, $0x1  }
0x4f: {  	s25 =	sadd.s32 $0x2710, s3;
	s5 =	simm.s32 @p2 $0x11DA500  }
0x50: {  	s0 =	sadd.s32 $0x1388, s4;
	[dreg:$0x4] =	wrdreg s25;
	s5 =	simm.s32 @p1 $0x1276900  }
0x51: {  	s9 =	sadd.s32 $0x3A98, s4;
	[dreg:$0x5] =	wrdreg s0;
	s5 =	simm.s32 @p0 $0x1312D00  }
0x52: {  	s11 =	sadd.s32 $0x4E20, s4;
	[dreg:$0x8] =	wrdreg s9;
	s5 =	sshrl.u32 s5, $0x3  }
0x53: {  	s7 =	sadd.s32 $0x3A98, s3;
	[dreg:$0xa] =	wrdreg s11;
	s5 =	sadd.s32 s1, s5  }
0x54: {  	[dreg:$0x6] =	wrdreg s7;
	s10 =	sadd.s32 $0x1388, s5  }
0x55: {  	s7 =	simm.s32 $0x1;
	[dreg:$0x9] =	wrdreg s10  }
0x56: {  	_ =	swait.ge [sflag:s7], $0x9C40  }
0x57: {  	[sflag:s7] =	ssyncset.done $0x0  }
0x58: {  	[sflag:s7] =	ssyncadd.s32 $0xFFFF63C0  }
0x59: {  	[hbm4b:s4+s2] =	stream.linear.scatter [tilespmem:s2], [sflag:$0x2], $0x9C40, $0x38;
	[tilespmem:$0x1D500] =	vst v63  }
0x5a: {  	s8 =	simm.s32 $0x13880;
	s9 =	rddreg [dreg:$0x4]  }
0x5b: {  	[tilespmem:s8], [sflag:$0x1] =	stream.linear.gather [hbm4b:s9+s2], $0x9C40, $0x38;
	[tilespmem:$0x1D500] =	vst v63  }
0x5c: {  	_ =	swait.ge [sflag:s7], $0x9C40  }
0x5d: {  	[sflag:s7] =	ssyncset.done $0x0  }
0x5e: {  	s9 =	simm.s32 $0x2;
	s10 =	rddreg [dreg:$0x5];
	[sflag:s7] =	ssyncadd.s32 $0xFFFF63C0  }
0x5f: {  	[hbm4b:s10+s2] =	stream.linear.scatter [tilespmem:s6], [sflag:$0x2], $0x9C40, $0x38;
	[tilespmem:$0x1D500] =	vst v63  }
0x60: {  	_ =	swait.ge [sflag:s9], $0x9C40  }
0x61: {  	[sflag:s9] =	ssyncset.done $0x0  }
0x62: {  	s12 =	rddreg [dreg:$0x6];
	[sflag:s9] =	ssyncadd.s32 $0xFFFF63C0  }
0x63: {  	[tilespmem:s2], [sflag:$0x1] =	stream.linear.gather [hbm4b:s12+s2], $0x9C40, $0x38;
	[tilespmem:$0x1D500] =	vst v63  }
0x64: {  	_ =	swait.ge [sflag:s7], $0x9C40  }
0x65: {  	s13 =	sld [smem:$0x7DF]  }
0x66: {  	s15 =	rddreg [dreg:$0x7]  }
0x67: {  	s16 =	sld [smem:$0x7E0]  }
0x68: {  	[sflag:s7] =	ssyncset.done $0x0;
	s17 =	sld [smem:$0x7E1]  }
0x69: {  	s14 =	simm.s32 $0x927C00;
	s18 =	sld [smem:$0x7E2];
	[sflag:s7] =	ssyncadd.s32 $0xFFFF63C0  }
0x6a: {  	[hbm4b:s15+s2] =	stream.linear.scatter [tilespmem:s8], [sflag:$0x2], $0x9C40, $0x38;
	[tilespmem:$0x1D500] =	vst v63  }
0x6b: {  	p3 =	seq.s32 s13, $0x1;
	p0 =	seq.s32 s16, $0x1;
	_ =	swait.ge [sflag:s9], $0x9C40  }
0x6c: {  	p1 =	seq.s32 s17, $0x1;
	s19 =	sld [smem:$0x7E3];
	[sflag:s9] =	ssyncset.done $0x0  }
0x6d: {  	s14 =	simm.s32 @!p3 $0xEA600;
	s20 =	sld [smem:$0x7E6];
	[sflag:s9] =	ssyncadd.s32 $0xFFFF63C0  }
0x6e: {  	[tilespmem:s6], [sflag:$0x1] =	stream.linear.gather [hbm4b:s5+s2], $0x9C40, $0x38;
	[tilespmem:$0x1D500] =	vst v63  }
0x6f: {  	s22 =	sld [smem:$0x7E9];
	s14 =	simm.s32 @p0 $0x5CC600;
	_ =	swait.ge [sflag:s7], $0x9C40  }
0x70: {  	p2 =	seq.s32 s18, $0x1;
	s14 =	simm.s32 @p1 $0x186A00;
	s23 =	sld [smem:$0x7EB]  }
0x71: {  	s14 =	simm.s32 @p2 $0x3A9800;
	s24 =	rddreg [dreg:$0x8]  }
0x72: {  	p4 =	seq.s32 s19, $0x1;
	s25 =	sld [smem:$0x7EC];
	[sflag:s7] =	ssyncset.done $0x0  }
0x73: {  	p5 =	seq.s32 s20, $0x1;
	s26 =	sld [smem:$0x7ED];
	[sflag:s7] =	ssyncadd.s32 $0xFFFF63C0  }
0x74: {  	[hbm4b:s24+s2] =	stream.linear.scatter [tilespmem:s2], [sflag:$0x2], $0x9C40, $0x38;
	[tilespmem:$0x1D500] =	vst v63  }
0x75: {  	s14 =	simm.s32 @p4 $0x7C8300;
	s11 =	sld [smem:$0x7EE];
	_ =	swait.ge [sflag:s9], $0x9C40  }
0x76: {  	s14 =	simm.s32 @p5 $0x4BAF00;
	p5 =	seq.s32 s22, $0x1;
	s12 =	sld [smem:$0x7E4]  }
0x77: {  	s14 =	simm.s32 @p5 $0x530200;
	s13 =	rddreg [dreg:$0x9]  }
0x78: {  	p5 =	seq.s32 s23, $0x1;
	s15 =	sld [smem:$0x7EF];
	[sflag:s9] =	ssyncset.done $0x0  }
0x79: {  	s14 =	simm.s32 @p5 $0x298100;
	s16 =	sld [smem:$0x7F0];
	[sflag:s9] =	ssyncadd.s32 $0xFFFF63C0  }
0x7a: {  	[tilespmem:s8], [sflag:$0x1] =	stream.linear.gather [hbm4b:s13+s2], $0x9C40, $0x38;
	[tilespmem:$0x1D500] =	vst v63  }
0x7b: {  	p5 =	seq.s32 s25, $0x1;
	s17 =	sld [smem:$0x7F1];
	_ =	swait.ge [sflag:s7], $0x9C40  }
0x7c: {  	s14 =	simm.s32 @p5 $0x641900;
	p5 =	seq.s32 s26, $0x1;
	s18 =	sld [smem:$0x7F2]  }
0x7d: {  	s14 =	simm.s32 @p5 $0x83D600;
	p5 =	seq.s32 s11, $0x1;
	s19 =	rddreg [dreg:$0xa]  }
0x7e: {  	s14 =	simm.s32 @p5 $0x27100;
	s20 =	sld [smem:$0x7F3]  }
0x7f: {  	p5 =	seq.s32 s12, $0x1;
	p6 =	seq.s32 s15, $0x1;
	s22 =	sld [smem:$0x7F4]  }
0x80: {  	s14 =	simm.s32 @p5 $0x493E00;
	[sflag:s7] =	ssyncset.done $0x0;
	s23 =	sld [smem:$0x7F5]  }
0x81: {  	s14 =	simm.s32 @p6 $0x15F900;
	p6 =	seq.s32 s16, $0x1;
	[sflag:s7] =	ssyncadd.s32 $0xFFFF63C0  }
0x82: {  	[hbm4b:s19+s2] =	stream.linear.scatter [tilespmem:s6], [sflag:$0x2], $0x9C40, $0x38;
	[tilespmem:$0x1D500] =	vst v63  }
0x83: {  	s14 =	simm.s32 @p6 $0x900B00;
	p6 =	seq.s32 s17, $0x1;
	_ =	swait.ge [sflag:s9], $0x9C40  }
0x84: {  	s14 =	simm.s32 @p6 $0x1D4C00;
	p6 =	seq.s32 s18, $0x1;
	s24 =	sld [smem:$0x7F6]  }
0x85: {  	s10 =	sadd.s32 $0x2710, s5;
	s14 =	simm.s32 @p6 $0xA12200;
	s25 =	sld [smem:$0x7F7]  }
0x86: {  	p6 =	seq.s32 s20, $0x1;
	[sflag:s9] =	ssyncset.done $0x0;
	s26 =	sld [smem:$0x7F8]  }
0x87: {  	s14 =	simm.s32 @p6 $0xAAE600;
	p6 =	seq.s32 s22, $0x1;
	[sflag:s9] =	ssyncadd.s32 $0xFFFF63C0  }
0x88: {  	s14 =	simm.s32 @p6 $0xB4AA00;
	p6 =	seq.s32 s23, $0x1;
	s23 =	simm.s32 $0x5F3700  }
0x89: {  	[tilespmem:s2], [sflag:$0x1] =	stream.linear.gather [hbm4b:s10+s2], $0x9C40, $0x38;
	[tilespmem:$0x1D500] =	vst v63  }
0x8a: {  	s14 =	simm.s32 @p6 $0xBE6E00;
	p6 =	seq.s32 s24, $0x1;
	s23 =	simm.s32 @!p3 $0x3F7A00  }
0x8b: {  	p3 =	seq.s32 s26, $0x1;
	_ =	swait.ge [sflag:s7], $0x9C40;
	s14 =	simm.s32 @p6 $0xC83200  }
0x8c: {  	p6 =	seq.s32 s25, $0x1;
	s23 =	simm.s32 @p0 $0x41EB00;
	s11 =	sld [smem:$0x7F9]  }
0x8d: {  	[sflag:s7] =	ssyncset.done $0x0;
	s12 =	sld [smem:$0x7FA];
	s14 =	simm.s32 @p6 $0xD1F600  }
0x8e: {  	s13 =	sld [smem:$0x7FB];
	[sflag:s7] =	ssyncadd.s32 $0xFFFF63C0;
	s23 =	simm.s32 @p1 $0x99CF00  }
0x8f: {  	s14 =	simm.s32 @p3 $0xDBBA00;
	s23 =	simm.s32 @p2 $0x88B800  }
0x90: {  	p3 =	seq.s32 s11, $0x1;
	s11 =	sadd.s32 $0x61A8, s4;
	p0 =	seq.s32 s12, $0x1  }
0x91: {  	[hbm4b:s11+s2] =	stream.linear.scatter [tilespmem:s8], [sflag:$0x2], $0x9C40, $0x38;
	[tilespmem:$0x1D500] =	vst v63  }
0x92: {  	p6 =	seq.s32 s13, $0x1;
	s12 =	sadd.s32 $0x3A98, s5;
	_ =	swait.ge [sflag:s9], $0x9C40  }
0x93: {  	s23 =	simm.s32 @p4 $0x668A00;
	s15 =	sld [smem:$0x7E5];
	[sflag:s9] =	ssyncset.done $0x0  }
0x94: {  	s14 =	simm.s32 @p3 $0xE57E00;
	s16 =	sld [smem:$0x7FC];
	[sflag:s9] =	ssyncadd.s32 $0xFFFF63C0  }
0x95: {  	[tilespmem:s6], [sflag:$0x1] =	stream.linear.gather [hbm4b:s12+s2], $0x9C40, $0x38;
	[tilespmem:$0x1D500] =	vst v63  }
0x96: {  	s14 =	simm.s32 @p0 $0xEF4200;
	s17 =	sld [smem:$0x7FD];
	_ =	swait.ge [sflag:s7], $0x9C40  }
0x97: {  	s13 =	sadd.s32 $0x7530, s4;
	s14 =	simm.s32 @p6 $0xF90600;
	s18 =	sld [smem:$0x7E6]  }
0x98: {  	p6 =	seq.s32 s15, $0x1;
	p0 =	seq.s32 s16, $0x1;
	s19 =	sld [smem:$0x7E7]  }
0x99: {  	s14 =	simm.s32 @p6 $0x102CA00;
	[sflag:s7] =	ssyncset.done $0x0;
	s20 =	sld [smem:$0x7E8]  }
0x9a: {  	s22 =	sld [smem:$0x7E9];
	s14 =	simm.s32 @p0 $0x10C8E00;
	p0 =	seq.s32 s17, $0x1  }
0x9b: {  	s24 =	sld [smem:$0x7EA];
	[sflag:s7] =	ssyncadd.s32 $0xFFFF63C0;
	s14 =	simm.s32 @p0 $0x1165200  }
0x9c: {  	[hbm4b:s13+s2] =	stream.linear.scatter [tilespmem:s2], [sflag:$0x2], $0x9C40, $0x38;
	[tilespmem:$0x1D500] =	vst v63  }
0x9d: {  	p0 =	seq.s32 s18, $0x1;
	p3 =	seq.s32 s19, $0x1;
	p1 =	seq.s32 s22, $0x1  }
0x9e: {  	p2 =	seq.s32 s24, $0x1;
	_ =	swait.ge [sflag:s9], $0x9C40;
	s23 =	simm.s32 @p0 $0x222E00  }
0x9f: {  	s14 =	simm.s32 @p3 $0x1201600;
	p0 =	seq.s32 s20, $0x1;
	s25 =	sld [smem:$0x7EB]  }
0xa0: {  	[sflag:s9] =	ssyncset.done $0x0;
	s26 =	sld [smem:$0x7EC];
	s14 =	simm.s32 @p0 $0x129DA00  }
0xa1: {  	s15 =	sld [smem:$0x7ED];
	s23 =	simm.s32 @p1 $0x75300;
	s14 =	simm.s32 @p2 $0x1339E00  }
0xa2: {  	[sflag:s9] =	ssyncadd.s32 $0xFFFF63C0;
	p1 =	seq.s32 s25, $0x1;
	s14 =	sshrl.u32 s14, $0x3  }
0xa3: {  	s23 =	simm.s32 @p1 $0x5A5500;
	p1 =	seq.s32 s26, $0x1;
	s14 =	sadd.s32 s1, s14  }
0xa4: {  	[tilespmem:s8], [sflag:$0x1] =	stream.linear.gather [hbm4b:s14+s2], $0x9C40, $0x38;
	[tilespmem:$0x1D500] =	vst v63  }
0xa5: {  	s23 =	simm.s32 @p1 $0x382700;
	p1 =	seq.s32 s15, $0x1;
	_ =	swait.ge [sflag:s7], $0x9C40  }
0xa6: {  	s15 =	sadd.s32 $0x88B8, s4;
	s16 =	sld [smem:$0x7EE];
	[sflag:s7] =	ssyncset.done $0x0  }
0xa7: {  	s23 =	simm.s32 @p1 $0x753000;
	s17 =	sld [smem:$0x7EF];
	[sflag:s7] =	ssyncadd.s32 $0xFFFF63C0  }
0xa8: {  	[hbm4b:s15+s2] =	stream.linear.scatter [tilespmem:s6], [sflag:$0x2], $0x9C40, $0x38;
	[tilespmem:$0x1D500] =	vst v63  }
0xa9: {  	p1 =	seq.s32 s16, $0x1;
	_ =	swait.ge [sflag:s9], $0x9C40;
	s16 =	sadd.s32 $0x1388, s14  }
0xaa: {  	s23 =	simm.s32 @p1 $0x138800;
	s18 =	sld [smem:$0x7F0];
	[sflag:s9] =	ssyncset.done $0x0  }
0xab: {  	p1 =	seq.s32 s17, $0x1;
	s19 =	sld [smem:$0x7F1];
	[sflag:s9] =	ssyncadd.s32 $0xFFFF63C0  }
0xac: {  	[tilespmem:s2], [sflag:$0x1] =	stream.linear.gather [hbm4b:s16+s2], $0x9C40, $0x38;
	[tilespmem:$0x1D500] =	vst v63  }
0xad: {  	s20 =	sld [smem:$0x7F2];
	s23 =	simm.s32 @p5 $0x111700;
	_ =	swait.ge [sflag:s7], $0x9C40  }
0xae: {  	s23 =	simm.s32 @p1 $0x975E00;
	p1 =	seq.s32 s18, $0x1;
	s22 =	sld [smem:$0x7F3]  }
0xaf: {  	s17 =	sadd.s32 $0x9C40, s4;
	s23 =	simm.s32 @p1 $0x72BF00;
	s24 =	sld [smem:$0x7F4]  }
0xb0: {  	p1 =	seq.s32 s19, $0x1;
	[sflag:s7] =	ssyncset.done $0x0;
	s25 =	sld [smem:$0x7F5]  }
0xb1: {  	s23 =	simm.s32 @p1 $0x46CD00;
	p1 =	seq.s32 s20, $0x1;
	[sflag:s7] =	ssyncadd.s32 $0xFFFF63C0  }
0xb2: {  	[hbm4b:s17+s2] =	stream.linear.scatter [tilespmem:s8], [sflag:$0x2], $0x9C40, $0x38;
	[tilespmem:$0x1D500] =	vst v63  }
0xb3: {  	s23 =	simm.s32 @p1 $0xA39300;
	p1 =	seq.s32 s22, $0x1;
	_ =	swait.ge [sflag:s9], $0x9C40  }
0xb4: {  	s23 =	simm.s32 @p1 $0xAD5700;
	s26 =	sld [smem:$0x7F6]  }
0xb5: {  	p1 =	seq.s32 s24, $0x1;
	[sflag:s9] =	ssyncset.done $0x0;
	s18 =	sld [smem:$0x7F7]  }
0xb6: {  	s19 =	sld [smem:$0x7F8];
	s23 =	simm.s32 @p1 $0xB71B00;
	p1 =	seq.s32 s25, $0x1  }
0xb7: {  	[sflag:s9] =	ssyncadd.s32 $0xFFFF63C0;
	s23 =	simm.s32 @p1 $0xC0DF00;
	p1 =	seq.s32 s26, $0x1  }
0xb8: {  	s23 =	simm.s32 @p1 $0xCAA300;
	p1 =	seq.s32 s18, $0x1;
	s18 =	sadd.s32 $0x2710, s14  }
0xb9: {  	[tilespmem:s6], [sflag:$0x1] =	stream.linear.gather [hbm4b:s18+s2], $0x9C40, $0x38;
	[tilespmem:$0x1D500] =	vst v63  }
0xba: {  	_ =	swait.ge [sflag:s7], $0x9C40  }
0xbb: {  	s23 =	simm.s32 @p1 $0xD46700;
	p1 =	seq.s32 s19, $0x1;
	s20 =	sld [smem:$0x7F9]  }
0xbc: {  	s19 =	sadd.s32 $0xAFC8, s4;
	[sflag:s7] =	ssyncset.done $0x0;
	s22 =	sld [smem:$0x7FA]  }
0xbd: {  	s23 =	simm.s32 @p1 $0xDE2B00;
	s24 =	sld [smem:$0x7FB];
	[sflag:s7] =	ssyncadd.s32 $0xFFFF63C0  }
0xbe: {  	[hbm4b:s19+s2] =	stream.linear.scatter [tilespmem:s2], [sflag:$0x2], $0x9C40, $0x38;
	[tilespmem:$0x1D500] =	vst v63  }
0xbf: {  	p1 =	seq.s32 s20, $0x1;
	_ =	swait.ge [sflag:s9], $0x9C40;
	s20 =	sadd.s32 $0x3A98, s14  }
0xc0: {  	s23 =	simm.s32 @p1 $0xE7EF00;
	p1 =	seq.s32 s22, $0x1;
	[sflag:s9] =	ssyncset.done $0x0  }
0xc1: {  	s25 =	sld [smem:$0x7FC];
	s23 =	simm.s32 @p1 $0xF1B300;
	p1 =	seq.s32 s24, $0x1  }
0xc2: {  	s26 =	sld [smem:$0x7FD];
	[sflag:s9] =	ssyncadd.s32 $0xFFFF63C0;
	s23 =	simm.s32 @p1 $0xFB7700  }
0xc3: {  	[tilespmem:s8], [sflag:$0x1] =	stream.linear.gather [hbm4b:s20+s2], $0x9C40, $0x38;
	[tilespmem:$0x1D500] =	vst v63  }
0xc4: {  	s23 =	simm.s32 @p6 $0x1053B00;
	p1 =	seq.s32 s25, $0x1  }
0xc5: {  	_ =	swait.ge [sflag:s7], $0x9C40;
	s23 =	simm.s32 @p1 $0x10EFF00;
	p1 =	seq.s32 s26, $0x1  }
0xc6: {  	[sflag:s7] =	ssyncset.done $0x0;
	s23 =	simm.s32 @p1 $0x118C300  }
0xc7: {  	s22 =	sadd.s32 $0xC350, s4;
	[sflag:s7] =	ssyncadd.s32 $0xFFFF63C0;
	s23 =	simm.s32 @p3 $0x1228700  }
0xc8: {  	[hbm4b:s22+s2] =	stream.linear.scatter [tilespmem:s6], [sflag:$0x2], $0x9C40, $0x38;
	[tilespmem:$0x1D500] =	vst v63  }
0xc9: {  	s23 =	simm.s32 @p0 $0x12C4B00  }
0xca: {  	_ =	swait.ge [sflag:s9], $0x9C40;
	s23 =	simm.s32 @p2 $0x1360F00  }
0xcb: {  	[sflag:s9] =	ssyncset.done $0x0;
	s23 =	sshrl.u32 s23, $0x3  }
0xcc: {  	[sflag:s9] =	ssyncadd.s32 $0xFFFF63C0;
	s23 =	sadd.s32 s1, s23  }
0xcd: {  	[tilespmem:s2], [sflag:$0x1] =	stream.linear.gather [hbm4b:s23+s2], $0x9C40, $0x38;
	[tilespmem:$0x1D500] =	vst v63  }
0xce: {  	_ =	swait.ge [sflag:s7], $0x9C40  }
0xcf: {  	[sflag:s7] =	ssyncset.done $0x0  }
0xd0: {  	s24 =	sadd.s32 $0xD6D8, s4;
	[sflag:s7] =	ssyncadd.s32 $0xFFFF63C0  }
0xd1: {  	[hbm4b:s24+s2] =	stream.linear.scatter [tilespmem:s8], [sflag:$0x2], $0x9C40, $0x38;
	[tilespmem:$0x1D500] =	vst v63  }
0xd2: {  	_ =	swait.ge [sflag:s9], $0x9C40  }
0xd3: {  	[sflag:s9] =	ssyncset.done $0x0  }
0xd4: {  	s25 =	sadd.s32 $0x1388, s23;
	[sflag:s9] =	ssyncadd.s32 $0xFFFF63C0  }
0xd5: {  	[tilespmem:s6], [sflag:$0x1] =	stream.linear.gather [hbm4b:s25+s2], $0x9C40, $0x38;
	[tilespmem:$0x1D500] =	vst v63  }
0xd6: {  	_ =	swait.ge [sflag:s7], $0x9C40  }
0xd7: {  	[sflag:s7] =	ssyncset.done $0x0  }
0xd8: {  	s26 =	sadd.s32 $0xEA60, s4;
	[sflag:s7] =	ssyncadd.s32 $0xFFFF63C0  }
0xd9: {  	[hbm4b:s26+s2] =	stream.linear.scatter [tilespmem:s2], [sflag:$0x2], $0x9C40, $0x38;
	[tilespmem:$0x1D500] =	vst v63  }
0xda: {  	_ =	swait.ge [sflag:s9], $0x9C40  }
0xdb: {  	[sflag:s9] =	ssyncset.done $0x0  }
0xdc: {  	s28 =	sadd.s32 $0x2710, s23;
	[sflag:s9] =	ssyncadd.s32 $0xFFFF63C0  }
0xdd: {  	[tilespmem:s8], [sflag:$0x1] =	stream.linear.gather [hbm4b:s28+s2], $0x9C40, $0x38;
	[tilespmem:$0x1D500] =	vst v63  }
0xde: {  	_ =	swait.ge [sflag:s7], $0x9C40  }
0xdf: {  	[sflag:s7] =	ssyncset.done $0x0  }
0xe0: {  	s29 =	sadd.s32 $0xFDE8, s4;
	[sflag:s7] =	ssyncadd.s32 $0xFFFF63C0  }
0xe1: {  	[hbm4b:s29+s2] =	stream.linear.scatter [tilespmem:s6], [sflag:$0x2], $0x9C40, $0x38;
	[tilespmem:$0x1D500] =	vst v63  }
0xe2: {  	_ =	swait.ge [sflag:s9], $0x9C40  }
0xe3: {  	[sflag:s9] =	ssyncset.done $0x0  }
0xe4: {  	s30 =	sadd.s32 $0x3A98, s23;
	[sflag:s9] =	ssyncadd.s32 $0xFFFF63C0  }
0xe5: {  	[tilespmem:s2], [sflag:$0x1] =	stream.linear.gather [hbm4b:s30+s2], $0x9C40, $0x38;
	[tilespmem:$0x1D500] =	vst v63  }
0xe6: {  	_ =	swait.ge [sflag:s7], $0x9C40  }
0xe7: {  	[sflag:s7] =	ssyncset.done $0x0  }
0xe8: {  	s31 =	sadd.s32 $0x11170, s4;
	[sflag:s7] =	ssyncadd.s32 $0xFFFF63C0  }
0xe9: {  	[hbm4b:s31+s2] =	stream.linear.scatter [tilespmem:s8], [sflag:$0x2], $0x9C40, $0x38;
	[tilespmem:$0x1D500] =	vst v63  }
0xea: {  	_ =	swait.ge [sflag:s7], $0x9C40  }
0xeb: {  	s21 =	ssub.s32 $0x2, s21;
	[sflag:s7] =	ssyncset.done $0x0  }
0xec: {  	s0 =	sshrl.u32 s21, $0x1;
	s1 =	sadd.s32 $0x124F8, s4;
	[sflag:s7] =	ssyncadd.s32 $0xFFFF63C0  }
0xed: {  	[hbm4b:s1+s2] =	stream.linear.scatter [tilespmem:s2], [sflag:$0x2], $0x9C40, $0x38;
	[tilespmem:$0x1D500] =	vst v63  }
0xee: {  	s0 =	ssub.s32 s21, s0;
	_ =	swait.ge [sflag:s9], $0x9C40  }
0xef: {  	s0 =	smax.u32 s0, $0x1;
	[sflag:s9] =	ssyncset.done $0x0  }
0xf0: {  	p0 =	sne.s32 s0, $0x1;
	[sflag:s9] =	ssyncadd.s32 $0xFFFF63C0  }
.Ltmp0:
0xf1: {  	_ =	swait.ge [sflag:s9], $0x9C40;
	(pc) =	sbr.rel @!p0 .LBB2_2-.Ltmp0, $4  }
0xf2: {  	[sflag:s9] =	ssyncset.done $0x0  }
0xf3: {  	[sflag:s9] =	ssyncadd.s32 $0xFFFF63C0  }
0xf4: {  	_ =	swait.ge [sflag:s9], $0x9C40  }
0xf5: {  	s21 =	sadd.s32 $0xFFFFFFFF, s0;
	[sflag:s9] =	ssyncset.done $0x0  }
.LBB2_1:
0xf6: {  	[sflag:s9] =	ssyncadd.s32 $0xFFFF63C0  }
0xf7: {  	[tilespmem:s2], [sflag:$0x1] =	stream.linear.gather [hbm4b:s3+s2], $0x9C40, $0x38;
	[tilespmem:$0x1D500] =	vst v63  }
0xf8: {  	s0 =	rddreg [dreg:$0x3]  }
0xf9: {  	[tilespmem:s6], [sflag:$0x1] =	stream.linear.gather [hbm4b:s0+s2], $0x9C40, $0x38;
	[tilespmem:$0x1D500] =	vst v63  }
0xfa: {  	_ =	swait.ge [sflag:s7], $0x9C40  }
0xfb: {  	[sflag:s7] =	ssyncset.done $0x0  }
0xfc: {  	[sflag:s7] =	ssyncadd.s32 $0xFFFF63C0  }
0xfd: {  	[hbm4b:s4+s2] =	stream.linear.scatter [tilespmem:s2], [sflag:$0x2], $0x9C40, $0x38;
	[tilespmem:$0x1D500] =	vst v63  }
0xfe: {  	s0 =	rddreg [dreg:$0x4]  }
0xff: {  	[tilespmem:s8], [sflag:$0x1] =	stream.linear.gather [hbm4b:s0+s2], $0x9C40, $0x38;
	[tilespmem:$0x1D500] =	vst v63  }
0x100: {  	_ =	swait.ge [sflag:s7], $0x9C40  }
0x101: {  	[sflag:s7] =	ssyncset.done $0x0  }
0x102: {  	s0 =	rddreg [dreg:$0x5];
	[sflag:s7] =	ssyncadd.s32 $0xFFFF63C0  }
0x103: {  	[hbm4b:s0+s2] =	stream.linear.scatter [tilespmem:s6], [sflag:$0x2], $0x9C40, $0x38;
	[tilespmem:$0x1D500] =	vst v63  }
0x104: {  	_ =	swait.ge [sflag:s9], $0x9C40  }
0x105: {  	[sflag:s9] =	ssyncset.done $0x0  }
0x106: {  	s0 =	rddreg [dreg:$0x6];
	[sflag:s9] =	ssyncadd.s32 $0xFFFF63C0  }
0x107: {  	[tilespmem:s2], [sflag:$0x1] =	stream.linear.gather [hbm4b:s0+s2], $0x9C40, $0x38;
	[tilespmem:$0x1D500] =	vst v63  }
0x108: {  	_ =	swait.ge [sflag:s7], $0x9C40  }
0x109: {  	[sflag:s7] =	ssyncset.done $0x0  }
0x10a: {  	s0 =	rddreg [dreg:$0x7];
	[sflag:s7] =	ssyncadd.s32 $0xFFFF63C0  }
0x10b: {  	[hbm4b:s0+s2] =	stream.linear.scatter [tilespmem:s8], [sflag:$0x2], $0x9C40, $0x38;
	[tilespmem:$0x1D500] =	vst v63  }
0x10c: {  	_ =	swait.ge [sflag:s9], $0x9C40  }
0x10d: {  	[sflag:s9] =	ssyncset.done $0x0  }
0x10e: {  	[sflag:s9] =	ssyncadd.s32 $0xFFFF63C0  }
0x10f: {  	[tilespmem:s6], [sflag:$0x1] =	stream.linear.gather [hbm4b:s5+s2], $0x9C40, $0x38;
	[tilespmem:$0x1D500] =	vst v63  }
0x110: {  	_ =	swait.ge [sflag:s7], $0x9C40  }
0x111: {  	[sflag:s7] =	ssyncset.done $0x0  }
0x112: {  	s0 =	rddreg [dreg:$0x8];
	[sflag:s7] =	ssyncadd.s32 $0xFFFF63C0  }
0x113: {  	[hbm4b:s0+s2] =	stream.linear.scatter [tilespmem:s2], [sflag:$0x2], $0x9C40, $0x38;
	[tilespmem:$0x1D500] =	vst v63  }
0x114: {  	_ =	swait.ge [sflag:s9], $0x9C40  }
0x115: {  	[sflag:s9] =	ssyncset.done $0x0  }
0x116: {  	s0 =	rddreg [dreg:$0x9];
	[sflag:s9] =	ssyncadd.s32 $0xFFFF63C0  }
0x117: {  	[tilespmem:s8], [sflag:$0x1] =	stream.linear.gather [hbm4b:s0+s2], $0x9C40, $0x38;
	[tilespmem:$0x1D500] =	vst v63  }
0x118: {  	_ =	swait.ge [sflag:s7], $0x9C40  }
0x119: {  	[sflag:s7] =	ssyncset.done $0x0  }
0x11a: {  	s0 =	rddreg [dreg:$0xa];
	[sflag:s7] =	ssyncadd.s32 $0xFFFF63C0  }
0x11b: {  	[hbm4b:s0+s2] =	stream.linear.scatter [tilespmem:s6], [sflag:$0x2], $0x9C40, $0x38;
	[tilespmem:$0x1D500] =	vst v63  }
0x11c: {  	_ =	swait.ge [sflag:s9], $0x9C40  }
0x11d: {  	[sflag:s9] =	ssyncset.done $0x0  }
0x11e: {  	[sflag:s9] =	ssyncadd.s32 $0xFFFF63C0  }
0x11f: {  	[tilespmem:s2], [sflag:$0x1] =	stream.linear.gather [hbm4b:s10+s2], $0x9C40, $0x38;
	[tilespmem:$0x1D500] =	vst v63  }
0x120: {  	_ =	swait.ge [sflag:s7], $0x9C40  }
0x121: {  	[sflag:s7] =	ssyncset.done $0x0  }
0x122: {  	[sflag:s7] =	ssyncadd.s32 $0xFFFF63C0  }
0x123: {  	[hbm4b:s11+s2] =	stream.linear.scatter [tilespmem:s8], [sflag:$0x2], $0x9C40, $0x38;
	[tilespmem:$0x1D500] =	vst v63  }
0x124: {  	_ =	swait.ge [sflag:s9], $0x9C40  }
0x125: {  	[sflag:s9] =	ssyncset.done $0x0  }
0x126: {  	[sflag:s9] =	ssyncadd.s32 $0xFFFF63C0  }
0x127: {  	[tilespmem:s6], [sflag:$0x1] =	stream.linear.gather [hbm4b:s12+s2], $0x9C40, $0x38;
	[tilespmem:$0x1D500] =	vst v63  }
0x128: {  	_ =	swait.ge [sflag:s7], $0x9C40  }
0x129: {  	[sflag:s7] =	ssyncset.done $0x0  }
0x12a: {  	[sflag:s7] =	ssyncadd.s32 $0xFFFF63C0  }
0x12b: {  	[hbm4b:s13+s2] =	stream.linear.scatter [tilespmem:s2], [sflag:$0x2], $0x9C40, $0x38;
	[tilespmem:$0x1D500] =	vst v63  }
0x12c: {  	_ =	swait.ge [sflag:s9], $0x9C40  }
0x12d: {  	[sflag:s9] =	ssyncset.done $0x0  }
0x12e: {  	[sflag:s9] =	ssyncadd.s32 $0xFFFF63C0  }
0x12f: {  	[tilespmem:s8], [sflag:$0x1] =	stream.linear.gather [hbm4b:s14+s2], $0x9C40, $0x38;
	[tilespmem:$0x1D500] =	vst v63  }
0x130: {  	_ =	swait.ge [sflag:s7], $0x9C40  }
0x131: {  	[sflag:s7] =	ssyncset.done $0x0  }
0x132: {  	[sflag:s7] =	ssyncadd.s32 $0xFFFF63C0  }
0x133: {  	[hbm4b:s15+s2] =	stream.linear.scatter [tilespmem:s6], [sflag:$0x2], $0x9C40, $0x38;
	[tilespmem:$0x1D500] =	vst v63  }
0x134: {  	_ =	swait.ge [sflag:s9], $0x9C40  }
0x135: {  	[sflag:s9] =	ssyncset.done $0x0  }
0x136: {  	[sflag:s9] =	ssyncadd.s32 $0xFFFF63C0  }
0x137: {  	[tilespmem:s2], [sflag:$0x1] =	stream.linear.gather [hbm4b:s16+s2], $0x9C40, $0x38;
	[tilespmem:$0x1D500] =	vst v63  }
0x138: {  	_ =	swait.ge [sflag:s7], $0x9C40  }
0x139: {  	[sflag:s7] =	ssyncset.done $0x0  }
0x13a: {  	[sflag:s7] =	ssyncadd.s32 $0xFFFF63C0  }
0x13b: {  	[hbm4b:s17+s2] =	stream.linear.scatter [tilespmem:s8], [sflag:$0x2], $0x9C40, $0x38;
	[tilespmem:$0x1D500] =	vst v63  }
0x13c: {  	_ =	swait.ge [sflag:s9], $0x9C40  }
0x13d: {  	[sflag:s9] =	ssyncset.done $0x0  }
0x13e: {  	[sflag:s9] =	ssyncadd.s32 $0xFFFF63C0  }
0x13f: {  	[tilespmem:s6], [sflag:$0x1] =	stream.linear.gather [hbm4b:s18+s2], $0x9C40, $0x38;
	[tilespmem:$0x1D500] =	vst v63  }
0x140: {  	_ =	swait.ge [sflag:s7], $0x9C40  }
0x141: {  	[sflag:s7] =	ssyncset.done $0x0  }
0x142: {  	[sflag:s7] =	ssyncadd.s32 $0xFFFF63C0  }
0x143: {  	[hbm4b:s19+s2] =	stream.linear.scatter [tilespmem:s2], [sflag:$0x2], $0x9C40, $0x38;
	[tilespmem:$0x1D500] =	vst v63  }
0x144: {  	_ =	swait.ge [sflag:s9], $0x9C40  }
0x145: {  	[sflag:s9] =	ssyncset.done $0x0  }
0x146: {  	[sflag:s9] =	ssyncadd.s32 $0xFFFF63C0  }
0x147: {  	[tilespmem:s8], [sflag:$0x1] =	stream.linear.gather [hbm4b:s20+s2], $0x9C40, $0x38;
	[tilespmem:$0x1D500] =	vst v63  }
0x148: {  	_ =	swait.ge [sflag:s7], $0x9C40  }
0x149: {  	[sflag:s7] =	ssyncset.done $0x0  }
0x14a: {  	[sflag:s7] =	ssyncadd.s32 $0xFFFF63C0  }
0x14b: {  	[hbm4b:s22+s2] =	stream.linear.scatter [tilespmem:s6], [sflag:$0x2], $0x9C40, $0x38;
	[tilespmem:$0x1D500] =	vst v63  }
0x14c: {  	_ =	swait.ge [sflag:s9], $0x9C40  }
0x14d: {  	[sflag:s9] =	ssyncset.done $0x0  }
0x14e: {  	[sflag:s9] =	ssyncadd.s32 $0xFFFF63C0  }
0x14f: {  	[tilespmem:s2], [sflag:$0x1] =	stream.linear.gather [hbm4b:s23+s2], $0x9C40, $0x38;
	[tilespmem:$0x1D500] =	vst v63  }
0x150: {  	_ =	swait.ge [sflag:s7], $0x9C40  }
0x151: {  	[sflag:s7] =	ssyncset.done $0x0  }
0x152: {  	[sflag:s7] =	ssyncadd.s32 $0xFFFF63C0  }
0x153: {  	[hbm4b:s24+s2] =	stream.linear.scatter [tilespmem:s8], [sflag:$0x2], $0x9C40, $0x38;
	[tilespmem:$0x1D500] =	vst v63  }
0x154: {  	_ =	swait.ge [sflag:s9], $0x9C40  }
0x155: {  	[sflag:s9] =	ssyncset.done $0x0  }
0x156: {  	[sflag:s9] =	ssyncadd.s32 $0xFFFF63C0  }
0x157: {  	[tilespmem:s6], [sflag:$0x1] =	stream.linear.gather [hbm4b:s25+s2], $0x9C40, $0x38;
	[tilespmem:$0x1D500] =	vst v63  }
0x158: {  	_ =	swait.ge [sflag:s7], $0x9C40  }
0x159: {  	[sflag:s7] =	ssyncset.done $0x0  }
0x15a: {  	[sflag:s7] =	ssyncadd.s32 $0xFFFF63C0  }
0x15b: {  	[hbm4b:s26+s2] =	stream.linear.scatter [tilespmem:s2], [sflag:$0x2], $0x9C40, $0x38;
	[tilespmem:$0x1D500] =	vst v63  }
0x15c: {  	_ =	swait.ge [sflag:s9], $0x9C40  }
0x15d: {  	[sflag:s9] =	ssyncset.done $0x0  }
0x15e: {  	[sflag:s9] =	ssyncadd.s32 $0xFFFF63C0  }
0x15f: {  	[tilespmem:s8], [sflag:$0x1] =	stream.linear.gather [hbm4b:s28+s2], $0x9C40, $0x38;
	[tilespmem:$0x1D500] =	vst v63  }
0x160: {  	_ =	swait.ge [sflag:s7], $0x9C40  }
0x161: {  	[sflag:s7] =	ssyncset.done $0x0  }
0x162: {  	[sflag:s7] =	ssyncadd.s32 $0xFFFF63C0  }
0x163: {  	[hbm4b:s29+s2] =	stream.linear.scatter [tilespmem:s6], [sflag:$0x2], $0x9C40, $0x38;
	[tilespmem:$0x1D500] =	vst v63  }
0x164: {  	_ =	swait.ge [sflag:s9], $0x9C40  }
0x165: {  	[sflag:s9] =	ssyncset.done $0x0  }
0x166: {  	[sflag:s9] =	ssyncadd.s32 $0xFFFF63C0  }
0x167: {  	[tilespmem:s2], [sflag:$0x1] =	stream.linear.gather [hbm4b:s30+s2], $0x9C40, $0x38;
	[tilespmem:$0x1D500] =	vst v63  }
0x168: {  	_ =	swait.ge [sflag:s7], $0x9C40  }
0x169: {  	[sflag:s7] =	ssyncset.done $0x0  }
0x16a: {  	[sflag:s7] =	ssyncadd.s32 $0xFFFF63C0  }
0x16b: {  	[hbm4b:s31+s2] =	stream.linear.scatter [tilespmem:s8], [sflag:$0x2], $0x9C40, $0x38;
	[tilespmem:$0x1D500] =	vst v63  }
0x16c: {  	_ =	swait.ge [sflag:s7], $0x9C40  }
0x16d: {  	[sflag:s7] =	ssyncset.done $0x0  }
0x16e: {  	[sflag:s7] =	ssyncadd.s32 $0xFFFF63C0  }
0x16f: {  	[hbm4b:s1+s2] =	stream.linear.scatter [tilespmem:s2], [sflag:$0x2], $0x9C40, $0x38;
	[tilespmem:$0x1D500] =	vst v63  }
0x170: {  	_ =	swait.ge [sflag:s9], $0x9C40  }
0x171: {  	[sflag:s9] =	ssyncset.done $0x0  }
0x172: {  	p0 =	sne.s32 s21, $0x1;
	[sflag:s9] =	ssyncadd.s32 $0xFFFF63C0  }
.Ltmp1:
0x173: {  	_ =	swait.ge [sflag:s9], $0x9C40;
	(pc) =	sbr.rel @p0 .LBB2_1-.Ltmp1, $4  }
0x174: {  	[sflag:s9] =	ssyncset.done $0x0  }
0x175: {  	[sflag:s9] =	ssyncadd.s32 $0xFFFF63C0  }
0x176: {  	_ =	swait.ge [sflag:s9], $0x9C40  }
0x177: {  	s21 =	sadd.s32 $0xFFFFFFFF, s21;
	[sflag:s9] =	ssyncset.done $0x0  }
.LBB2_2:
0x178: {  	[sflag:s9] =	ssyncadd.s32 $0xFFFF63C0  }
0x179: {  	_ =	sfence.sel $0x180000  }
0x17a: {  	[bflag:$0x0] =	sbarrier.arrive $0xFFFF  }
0x17b: {  	_ =	strace $0x90000047  }
0x17c: {  	s0 =	stileid.u32;
	[bflag:$0x2] =	sbarrier.arrive $0xFFFF  }
0x17d: {  	p0 =	sne.s32 s0, $0x0;
	s0 =	rddreg [dreg:$0x2]  }
0x17e: {  	s0 =	sadd.s32 @!p0 $0x100000, s0  }
0x17f: {  	[sflag:s0] =	ssyncadd.tile.s32 @!p0 $0x1;
	_ =	shalt  }
.Lfunc_end2:
_tile_overlayer_lowered:
.L_overlay_start_2:
0x180: {  	(tag) =	ssettag $0x2  }
0x181: {  	s0 =	rddreg [dreg:$0x0];
	s2 =	stileid.u32  }
0x182: {  	s1 =	rddreg [dreg:$0x1];
	p0 =	sne.s32 s2, $0x0  }
0x183: {  	s3 =	rddreg [dreg:$0x2];
	[bflag:$0x3] =	sbarrier.arrive $0xFFFF;
	s2 =	simm.s32 @!p0 $0x1C03  }
0x184: {  	[timem:s3], [sflag:s2] =	dma.local @!p0 [hbm:s0], s1  }
0x185: {  	s0 =	simm.s32 @!p0 $0x3  }
0x186: {  	_ =	swait.ge @!p0 [sflag:s0], s1  }
0x187: {  	s1 =	ssub.s32 @!p0 $0x0, s1;
	[sflag:s0] =	ssyncset.done @!p0 $0x0  }
0x188: {  	[sflag:s0] =	ssyncadd.s32 @!p0 s1  }
0x189: {  	[bflag:$0x3] =	sbarrier.arrive $0xFFFF  }
0x18a: {  	_ =	shalt  }

</sc_bundles>
